<compile_context>
chip_gen: v7x
topology: tpu7x:2x2x1
jax: 0.10.2.dev20260603
libtpu: 0.0.44.dev20260713+nightly
codegen_flags: <defaults>
</compile_context>

<pallas_src>
import functools

import jax
import jax.numpy as jnp
from jax import lax
from jax.experimental import pallas as pl
from jax.experimental.pallas import tpu as pltpu
from jax.experimental.pallas import tpu_sc as plsc

NC = 2
NS = 16
NW = NC * NS
LANES = 16
CHUNK = 128
KROWS = 2


def _make_sc_agg(n_nodes, n_pad, d_pad, chunks_per_worker):
    assert chunks_per_worker % 2 == 0
    rows_per_tile = n_pad // NS
    mesh = plsc.VectorSubcoreMesh(core_axis_name="c", subcore_axis_name="s",
                                  num_cores=NC, num_subcores=NS)

    @functools.partial(
        pl.kernel,
        mesh=mesh,
        out_type=jax.ShapeDtypeStruct((NC, n_pad, d_pad), jnp.float32),
        scratch_types=[
            pltpu.VMEM((KROWS * CHUNK,), jnp.int32),
            pltpu.VMEM((KROWS * CHUNK,), jnp.int32),
            pltpu.VMEM((KROWS, CHUNK), jnp.int32),
            pltpu.VMEM((KROWS, CHUNK), jnp.int32),
            pltpu.VMEM((KROWS * CHUNK, d_pad), jnp.float32),
            pltpu.VMEM_SHARED((n_pad, d_pad), jnp.float32),
            pltpu.SemaphoreType.DMA,
            pltpu.SemaphoreType.DMA,
            pltpu.SemaphoreType.DMA,
            pltpu.SemaphoreType.DMA,
            pltpu.SemaphoreType.DMA,
            pltpu.SemaphoreType.DMA,
        ],
        compiler_params=pltpu.CompilerParams(use_tc_tiling_on_sc=False),
    )
    def sc_agg(feat_hbm, src_hbm, dst_hbm, out_hbm,
               sidx0, sidx1, didx0, didx1, rows_v, acc,
               gsem, ssem0, ssem1, dsem0, dsem1, _sem):
        cid = lax.axis_index("c")
        sid = lax.axis_index("s")
        wid = sid * NC + cid
        cpw = chunks_per_worker

        def zero_row(j, carry):
            for k in range(d_pad // LANES):
                rows_v[j, pl.ds(k * LANES, LANES)] = jnp.zeros(
                    (LANES,), jnp.float32)
            return carry
        lax.fori_loop(0, CHUNK, zero_row, 0)

        base = pl.multiple_of(sid * rows_per_tile, 8)
        off = 0
        while off < rows_per_tile:
            sz = min(CHUNK, rows_per_tile - off)
            pltpu.sync_copy(rows_v.at[pl.ds(0, sz)],
                            acc.at[pl.ds(base + off, sz)])
            off += sz
        plsc.subcore_barrier()

        pltpu.async_copy(src_hbm.at[wid, 0], sidx0, ssem0)
        pltpu.async_copy(dst_hbm.at[wid, 0], didx0, dsem0)
        pltpu.async_copy(src_hbm.at[wid, 1], sidx1, ssem1)
        pltpu.async_copy(dst_hbm.at[wid, 1], didx1, dsem1)

        def op_body(o, sidx, didx, ssem, dsem):
            more = o + 2 < cpw
            pltpu.make_async_copy(src_hbm.at[wid, o], sidx, ssem).wait()
            pltpu.async_copy(feat_hbm.at[sidx], rows_v, gsem).wait()

            @pl.when(more)
            def _():
                pltpu.async_copy(src_hbm.at[wid, o + 2], sidx, ssem)

            pltpu.make_async_copy(dst_hbm.at[wid, o], didx, dsem).wait()
            for k in range(KROWS):
                pltpu.sync_copy(rows_v.at[pl.ds(k * CHUNK, CHUNK)],
                                acc.at[didx.at[k]], add=True)

            @pl.when(more)
            def _():
                pltpu.async_copy(dst_hbm.at[wid, o + 2], didx, dsem)

        def pair_body(g, carry):
            o0 = g * 2
            op_body(o0, sidx0, didx0, ssem0, dsem0)
            op_body(o0 + 1, sidx1, didx1, ssem1, dsem1)
            return carry
        lax.fori_loop(0, cpw // 2, pair_body, 0)
        plsc.subcore_barrier()

        pltpu.sync_copy(acc.at[pl.ds(base, rows_per_tile)],
                        out_hbm.at[cid, pl.ds(base, rows_per_tile)])

    return sc_agg


def _tc_sage_body(relu, pad_ones, bm, d, d_pad,
                  p_ref, x_ref, wl_ref, wr_ref, b_ref, o_ref):
    agg = p_ref[0] + p_ref[1]
    cnt = jnp.maximum(agg[:, d:d + 1], 1.0)
    mean = agg[:, :d] / cnt
    h = (jnp.dot(mean, wl_ref[...], preferred_element_type=jnp.float32)
         + jnp.dot(x_ref[:, :d], wr_ref[...],
                   preferred_element_type=jnp.float32)
         + b_ref[...])
    if relu:
        h = jnp.maximum(h, 0.0)
    if pad_ones:
        o_ref[:, :d] = h
        o_ref[:, d:] = jnp.ones((bm, d_pad - d), jnp.float32)
    else:
        o_ref[...] = h


def _tc_sage(p, x_feat, wl_t, wr_t, b, relu, pad_ones, bm):
    n, d = x_feat.shape[0], wl_t.shape[0]
    d_pad = p.shape[2]
    d_out = d_pad if pad_ones else d
    grid = n // bm
    return pl.pallas_call(
        functools.partial(_tc_sage_body, relu, pad_ones, bm, d, d_pad),
        grid=(grid,),
        in_specs=[
            pl.BlockSpec((NC, bm, d_pad), lambda i: (0, i, 0)),
            pl.BlockSpec((bm, x_feat.shape[1]), lambda i: (i, 0)),
            pl.BlockSpec((d, d), lambda i: (0, 0)),
            pl.BlockSpec((d, d), lambda i: (0, 0)),
            pl.BlockSpec((1, d), lambda i: (0, 0)),
        ],
        out_specs=pl.BlockSpec((bm, d_out), lambda i: (i, 0)),
        out_shape=jax.ShapeDtypeStruct((n, d_out), jnp.float32),
    )(p, x_feat, wl_t, wr_t, b)


def kernel(x, edge_index, W1_l, b1_l, W1_r, W2_l, b2_l, W2_r):
    n, d = x.shape
    e = edge_index.shape[1]
    assert e % NW == 0
    ep = e // NW
    epo = KROWS * CHUNK
    cpw = -(-ep // epo)
    cpw += cpw % 2
    pad_e = cpw * epo - ep
    d_pad = d + LANES
    rows_per_tile = -(-(n + 1) // (NS * 8)) * 8
    n_pad = rows_per_tile * NS

    src = edge_index[0].astype(jnp.int32).reshape(NW, ep)
    dst = edge_index[1].astype(jnp.int32).reshape(NW, ep)
    if pad_e:
        src = jnp.concatenate(
            [src, jnp.zeros((NW, pad_e), jnp.int32)], axis=1)
        dst = jnp.concatenate(
            [dst, jnp.full((NW, pad_e), n, jnp.int32)], axis=1)
    src = src.reshape(NW, cpw, KROWS * CHUNK)
    dst = dst.reshape(NW, cpw, KROWS, CHUNK)

    xp = jnp.concatenate([x, jnp.ones((n, d_pad - d), jnp.float32)], axis=1)

    sc_agg = _make_sc_agg(n, n_pad, d_pad, cpw)
    p1 = sc_agg(xp, src, dst)
    hp = _tc_sage(p1, xp, W1_l.T, W1_r.T, b1_l.reshape(1, d),
                  relu=True, pad_ones=True, bm=1000)
    p2 = sc_agg(hp, src, dst)
    out = _tc_sage(p2, hp, W2_l.T, W2_r.T, b2_l.reshape(1, d),
                   relu=False, pad_ones=False, bm=1000)
    return out

# --- scband reference (transcript-rebuilt; emitter-appended) ---
"""Pipeline reference for scband-student-model-13039520710870 (READ-ONLY COPY).

The authoritative reference and input builder live on the scoring server;
editing this copy changes nothing except your own understanding.
"""

import jax, jax.numpy as jnp
import numpy as np

N_NODES = 10000
N_EDGES = 320000
D_IN = 128
D_HID = 128
D_OUT = 128

def setup_inputs(seed: int = 0) -> dict:
    key = jax.random.key(seed)
    ks = jax.random.split(key, 8)
    x = jax.random.normal(ks[0], (N_NODES, D_IN), dtype=jnp.float32)
    edge_index = jax.random.randint(ks[1], (2, N_EDGES), 0, N_NODES, dtype=jnp.int64)
    s1 = 1.0 / np.sqrt(D_IN)
    s2 = 1.0 / np.sqrt(D_HID)
    W1_l = jax.random.uniform(ks[2], (D_HID, D_IN), minval=-s1, maxval=s1, dtype=jnp.float32)
    b1_l = jnp.zeros((D_HID,), dtype=jnp.float32)
    W1_r = jax.random.uniform(ks[3], (D_HID, D_IN), minval=-s1, maxval=s1, dtype=jnp.float32)
    W2_l = jax.random.uniform(ks[4], (D_OUT, D_HID), minval=-s2, maxval=s2, dtype=jnp.float32)
    b2_l = jnp.zeros((D_OUT,), dtype=jnp.float32)
    W2_r = jax.random.uniform(ks[5], (D_OUT, D_HID), minval=-s2, maxval=s2, dtype=jnp.float32)
    return {"x": x, "edge_index": edge_index, "W1_l": W1_l, "b1_l": b1_l, "W1_r": W1_r, "W2_l": W2_l, "b2_l": b2_l, "W2_r": W2_r}

def _sage_conv(x, edge_index, W_l, b_l, W_r):
    # PyG SAGEConv (aggr='mean'): out = lin_l(mean_agg(neighbors)) + lin_r(x)
    src = edge_index[0]
    dst = edge_index[1]
    msg = jnp.take(x, src, axis=0)                                # gather source features
    agg = jax.ops.segment_sum(msg, dst, num_segments=x.shape[0])  # scatter-add at dst
    cnt = jax.ops.segment_sum(jnp.ones((edge_index.shape[1],), dtype=x.dtype), dst, num_segments=x.shape[0])
    mean = agg / jnp.clip(cnt, 1.0, None)[:, None]
    return mean @ W_l.T + b_l + x @ W_r.T

def reference(x, edge_index, W1_l, b1_l, W1_r, W2_l, b2_l, W2_r):
    h = _sage_conv(x, edge_index, W1_l, b1_l, W1_r)
    h = jax.nn.relu(h)
    out = _sage_conv(h, edge_index, W2_l, b2_l, W2_r)
    return out

if __name__ == "__main__":
    import jax
    _d = setup_inputs()
    print(jax.jit(kernel)(*tuple(_d.values())))

</pallas_src>

<mosaic_0001>
#map = affine_map<(d0, d1) -> (0, 0)>
#map1 = affine_map<(d0, d1) -> (0, 0, 0)>
#map2 = affine_map<(d0, d1) -> (0, 0, 0, 0)>
module attributes {stable_mosaic.version = 14 : i64} {
  func.func @sc_agg(%arg0: i32, %arg1: i32, %arg2: memref<10000x144xf32, #tpu.memory_space<hbm>>, %arg3: memref<32x40x256xi32, #tpu.memory_space<hbm>>, %arg4: memref<32x40x2x128xi32, #tpu.memory_space<hbm>>, %arg5: memref<2x10112x144xf32, #tpu.memory_space<hbm>>, %arg6: memref<256xi32, #tpu.memory_space<vmem>>, %arg7: memref<256xi32, #tpu.memory_space<vmem>>, %arg8: memref<2x128xi32, #tpu.memory_space<vmem>>, %arg9: memref<2x128xi32, #tpu.memory_space<vmem>>, %arg10: memref<256x144xf32, #tpu.memory_space<vmem>>, %arg11: memref<10112x144xf32, #tpu.memory_space<vmem_shared>>, %arg12: memref<!tpu.dma_semaphore, #tpu.memory_space<semaphore_mem>>, %arg13: memref<!tpu.dma_semaphore, #tpu.memory_space<semaphore_mem>>, %arg14: memref<!tpu.dma_semaphore, #tpu.memory_space<semaphore_mem>>, %arg15: memref<!tpu.dma_semaphore, #tpu.memory_space<semaphore_mem>>, %arg16: memref<!tpu.dma_semaphore, #tpu.memory_space<semaphore_mem>>, %arg17: memref<!tpu.dma_semaphore, #tpu.memory_space<semaphore_mem>>) attributes {dimension_semantics = [#tpu.dimension_semantics<core_parallel>, #tpu.dimension_semantics<subcore_parallel>], iteration_bounds = array<i64: 2, 16>, scalar_prefetch = 0 : i64, scratch_operands = 12 : i64, tpu.core_type = #tpu.core_type<sc_vector_subcore>, window_params = [{transform_indices = #map}, {transform_indices = #map1}, {transform_indices = #map2}, {transform_indices = #map1}]} {
    %mul3A = arith.constant 2 : i32
    %mul3A_0 = arith.muli %arg1, %mul3A : i32
    %add3A = arith.addi %mul3A_0, %arg0 : i32
    %scan3A = arith.constant 0 : i32
    %scan3A_1 = arith.constant 0 : i32
    %scan3A_2 = arith.constant 128 : i32
    %scan3A_3 = arith.addi %scan3A_1, %scan3A_2 : i32
    %scan3A_4 = arith.constant 1 : i32
    scf.for %scan3A_56 = %scan3A_1 to %scan3A_3 step %scan3A_4  : i32 {
      %broadcast_in_dim3A = arith.constant 0.000000e+00 : f32
      %broadcast_in_dim3A_57 = vector.broadcast %broadcast_in_dim3A : f32 to vector<16xf32>
      %swap3A = arith.index_cast %scan3A_56 : i32 to index
      %swap3A_58 = arith.constant 0 : index
      %swap3A_59 = tpu.vector_load %arg10[%swap3A, %swap3A_58] {strides = array<i32>} : memref<256x144xf32, #tpu.memory_space<vmem>>, vector<1x16xf32>,
      %swap3A_60 = vector.shape_cast %swap3A_59 : vector<1x16xf32> to vector<16xf32>
      %swap3A_61 = vector.shape_cast %broadcast_in_dim3A_57 : vector<16xf32> to vector<1x16xf32>
      tpu.vector_store %arg10[%swap3A, %swap3A_58], %swap3A_61 {strides = array<i32>} : memref<256x144xf32, #tpu.memory_space<vmem>>, vector<1x16xf32>,
      %broadcast_in_dim3A_62 = arith.constant 0.000000e+00 : f32
      %broadcast_in_dim3A_63 = vector.broadcast %broadcast_in_dim3A_62 : f32 to vector<16xf32>
      %swap3A_64 = arith.index_cast %scan3A_56 : i32 to index
      %swap3A_65 = arith.constant 16 : index
      %swap3A_66 = tpu.vector_load %arg10[%swap3A_64, %swap3A_65] {strides = array<i32>} : memref<256x144xf32, #tpu.memory_space<vmem>>, vector<1x16xf32>,
      %swap3A_67 = vector.shape_cast %swap3A_66 : vector<1x16xf32> to vector<16xf32>
      %swap3A_68 = vector.shape_cast %broadcast_in_dim3A_63 : vector<16xf32> to vector<1x16xf32>
      tpu.vector_store %arg10[%swap3A_64, %swap3A_65], %swap3A_68 {strides = array<i32>} : memref<256x144xf32, #tpu.memory_space<vmem>>, vector<1x16xf32>,
      %broadcast_in_dim3A_69 = arith.constant 0.000000e+00 : f32
      %broadcast_in_dim3A_70 = vector.broadcast %broadcast_in_dim3A_69 : f32 to vector<16xf32>
      %swap3A_71 = arith.index_cast %scan3A_56 : i32 to index
      %swap3A_72 = arith.constant 32 : index
      %swap3A_73 = tpu.vector_load %arg10[%swap3A_71, %swap3A_72] {strides = array<i32>} : memref<256x144xf32, #tpu.memory_space<vmem>>, vector<1x16xf32>,
      %swap3A_74 = vector.shape_cast %swap3A_73 : vector<1x16xf32> to vector<16xf32>
      %swap3A_75 = vector.shape_cast %broadcast_in_dim3A_70 : vector<16xf32> to vector<1x16xf32>
      tpu.vector_store %arg10[%swap3A_71, %swap3A_72], %swap3A_75 {strides = array<i32>} : memref<256x144xf32, #tpu.memory_space<vmem>>, vector<1x16xf32>,
      %broadcast_in_dim3A_76 = arith.constant 0.000000e+00 : f32
      %broadcast_in_dim3A_77 = vector.broadcast %broadcast_in_dim3A_76 : f32 to vector<16xf32>
      %swap3A_78 = arith.index_cast %scan3A_56 : i32 to index
      %swap3A_79 = arith.constant 48 : index
      %swap3A_80 = tpu.vector_load %arg10[%swap3A_78, %swap3A_79] {strides = array<i32>} : memref<256x144xf32, #tpu.memory_space<vmem>>, vector<1x16xf32>,
      %swap3A_81 = vector.shape_cast %swap3A_80 : vector<1x16xf32> to vector<16xf32>
      %swap3A_82 = vector.shape_cast %broadcast_in_dim3A_77 : vector<16xf32> to vector<1x16xf32>
      tpu.vector_store %arg10[%swap3A_78, %swap3A_79], %swap3A_82 {strides = array<i32>} : memref<256x144xf32, #tpu.memory_space<vmem>>, vector<1x16xf32>,
      %broadcast_in_dim3A_83 = arith.constant 0.000000e+00 : f32
      %broadcast_in_dim3A_84 = vector.broadcast %broadcast_in_dim3A_83 : f32 to vector<16xf32>
      %swap3A_85 = arith.index_cast %scan3A_56 : i32 to index
      %swap3A_86 = arith.constant 64 : index
      %swap3A_87 = tpu.vector_load %arg10[%swap3A_85, %swap3A_86] {strides = array<i32>} : memref<256x144xf32, #tpu.memory_space<vmem>>, vector<1x16xf32>,
      %swap3A_88 = vector.shape_cast %swap3A_87 : vector<1x16xf32> to vector<16xf32>
      %swap3A_89 = vector.shape_cast %broadcast_in_dim3A_84 : vector<16xf32> to vector<1x16xf32>
      tpu.vector_store %arg10[%swap3A_85, %swap3A_86], %swap3A_89 {strides = array<i32>} : memref<256x144xf32, #tpu.memory_space<vmem>>, vector<1x16xf32>,
      %broadcast_in_dim3A_90 = arith.constant 0.000000e+00 : f32
      %broadcast_in_dim3A_91 = vector.broadcast %broadcast_in_dim3A_90 : f32 to vector<16xf32>
      %swap3A_92 = arith.index_cast %scan3A_56 : i32 to index
      %swap3A_93 = arith.constant 80 : index
      %swap3A_94 = tpu.vector_load %arg10[%swap3A_92, %swap3A_93] {strides = array<i32>} : memref<256x144xf32, #tpu.memory_space<vmem>>, vector<1x16xf32>,
      %swap3A_95 = vector.shape_cast %swap3A_94 : vector<1x16xf32> to vector<16xf32>
      %swap3A_96 = vector.shape_cast %broadcast_in_dim3A_91 : vector<16xf32> to vector<1x16xf32>
      tpu.vector_store %arg10[%swap3A_92, %swap3A_93], %swap3A_96 {strides = array<i32>} : memref<256x144xf32, #tpu.memory_space<vmem>>, vector<1x16xf32>,
      %broadcast_in_dim3A_97 = arith.constant 0.000000e+00 : f32
      %broadcast_in_dim3A_98 = vector.broadcast %broadcast_in_dim3A_97 : f32 to vector<16xf32>
      %swap3A_99 = arith.index_cast %scan3A_56 : i32 to index
      %swap3A_100 = arith.constant 96 : index
      %swap3A_101 = tpu.vector_load %arg10[%swap3A_99, %swap3A_100] {strides = array<i32>} : memref<256x144xf32, #tpu.memory_space<vmem>>, vector<1x16xf32>,
      %swap3A_102 = vector.shape_cast %swap3A_101 : vector<1x16xf32> to vector<16xf32>
      %swap3A_103 = vector.shape_cast %broadcast_in_dim3A_98 : vector<16xf32> to vector<1x16xf32>
      tpu.vector_store %arg10[%swap3A_99, %swap3A_100], %swap3A_103 {strides = array<i32>} : memref<256x144xf32, #tpu.memory_space<vmem>>, vector<1x16xf32>,
      %broadcast_in_dim3A_104 = arith.constant 0.000000e+00 : f32
      %broadcast_in_dim3A_105 = vector.broadcast %broadcast_in_dim3A_104 : f32 to vector<16xf32>
      %swap3A_106 = arith.index_cast %scan3A_56 : i32 to index
      %swap3A_107 = arith.constant 112 : index
      %swap3A_108 = tpu.vector_load %arg10[%swap3A_106, %swap3A_107] {strides = array<i32>} : memref<256x144xf32, #tpu.memory_space<vmem>>, vector<1x16xf32>,
      %swap3A_109 = vector.shape_cast %swap3A_108 : vector<1x16xf32> to vector<16xf32>
      %swap3A_110 = vector.shape_cast %broadcast_in_dim3A_105 : vector<16xf32> to vector<1x16xf32>
      tpu.vector_store %arg10[%swap3A_106, %swap3A_107], %swap3A_110 {strides = array<i32>} : memref<256x144xf32, #tpu.memory_space<vmem>>, vector<1x16xf32>,
      %broadcast_in_dim3A_111 = arith.constant 0.000000e+00 : f32
      %broadcast_in_dim3A_112 = vector.broadcast %broadcast_in_dim3A_111 : f32 to vector<16xf32>
      %swap3A_113 = arith.index_cast %scan3A_56 : i32 to index
      %swap3A_114 = arith.constant 128 : index
      %swap3A_115 = tpu.vector_load %arg10[%swap3A_113, %swap3A_114] {strides = array<i32>} : memref<256x144xf32, #tpu.memory_space<vmem>>, vector<1x16xf32>,
      %swap3A_116 = vector.shape_cast %swap3A_115 : vector<1x16xf32> to vector<16xf32>
      %swap3A_117 = vector.shape_cast %broadcast_in_dim3A_112 : vector<16xf32> to vector<1x16xf32>
      tpu.vector_store %arg10[%swap3A_113, %swap3A_114], %swap3A_117 {strides = array<i32>} : memref<256x144xf32, #tpu.memory_space<vmem>>, vector<1x16xf32>,
    }
    %scan3A_5 = arith.constant 128 : i32
    %mul3A_6 = arith.constant 632 : i32
    %mul3A_7 = arith.muli %arg1, %mul3A_6 : i32
    %multiple_of3A = tpu.assume_multiple %mul3A_7, 8 : i32
    %add3A_8 = arith.constant 0 : i32
    %add3A_9 = arith.addi %multiple_of3A, %add3A_8 : i32
    "tpu.region"() ({
      %run_scoped3A = tpu.sem_alloc : memref<!tpu.dma_semaphore, #tpu.memory_space<semaphore_mem>>
      %dma_start3A_56 = arith.constant 0 : i32
      %dma_start3A_57 = arith.constant 0 : i32
      %dma_start3A_58 = tpu.memref_slice %arg10[%dma_start3A_56, %dma_start3A_57] : memref<256x144xf32, #tpu.memory_space<vmem>> -> memref<128x144xf32, #tpu.memory_space<vmem>>
      %dma_start3A_59 = arith.constant 0 : i32
      %dma_start3A_60 = tpu.memref_slice %arg11[%add3A_9, %dma_start3A_59] : memref<10112x144xf32, #tpu.memory_space<vmem_shared>> -> memref<128x144xf32, #tpu.memory_space<vmem_shared>>
      %dma_start3A_61 = arith.constant 0 : i32
      %dma_start3A_62 = tpu.memref_slice %arg11[%add3A_9, %dma_start3A_61] : memref<10112x144xf32, #tpu.memory_space<vmem_shared>> -> memref<128x144xf32, #tpu.memory_space<vmem_shared>>
      %dma_start3A_63 = arith.constant 0 : i32
      %dma_start3A_64 = arith.constant 0 : i32
      %dma_start3A_65 = tpu.memref_slice %arg10[%dma_start3A_63, %dma_start3A_64] : memref<256x144xf32, #tpu.memory_space<vmem>> -> memref<128x144xf32, #tpu.memory_space<vmem>>
      tpu.enqueue_dma source(%dma_start3A_65 : memref<128x144xf32, #tpu.memory_space<vmem>>) target(%dma_start3A_62 : memref<128x144xf32, #tpu.memory_space<vmem_shared>>) target_semaphore(%run_scoped3A : memref<!tpu.dma_semaphore, #tpu.memory_space<semaphore_mem>>)
      %dma_wait3A = arith.constant 0 : i32
      %dma_wait3A_66 = arith.constant 0 : i32
      %dma_wait3A_67 = tpu.memref_slice %arg10[%dma_wait3A, %dma_wait3A_66] : memref<256x144xf32, #tpu.memory_space<vmem>> -> memref<128x144xf32, #tpu.memory_space<vmem>>
      %dma_wait3A_68 = arith.constant 0 : i32
      %dma_wait3A_69 = tpu.memref_slice %arg11[%add3A_9, %dma_wait3A_68] : memref<10112x144xf32, #tpu.memory_space<vmem_shared>> -> memref<128x144xf32, #tpu.memory_space<vmem_shared>>
      %dma_wait3A_70 = arith.constant 0 : i32
      %dma_wait3A_71 = tpu.memref_slice %arg11[%add3A_9, %dma_wait3A_70] : memref<10112x144xf32, #tpu.memory_space<vmem_shared>> -> memref<128x144xf32, #tpu.memory_space<vmem_shared>>
      %dma_wait3A_72 = arith.constant 0 : i32
      %dma_wait3A_73 = arith.constant 0 : i32
      %dma_wait3A_74 = tpu.memref_slice %arg10[%dma_wait3A_72, %dma_wait3A_73] : memref<256x144xf32, #tpu.memory_space<vmem>> -> memref<128x144xf32, #tpu.memory_space<vmem>>
      tpu.wait_dma2 semaphore(%run_scoped3A : memref<!tpu.dma_semaphore, #tpu.memory_space<semaphore_mem>>) src(%dma_wait3A_74 : memref<128x144xf32, #tpu.memory_space<vmem>>) dst(%dma_wait3A_71 : memref<128x144xf32, #tpu.memory_space<vmem_shared>>)
      tpu.yield
    }) : () -> ()
    %add3A_10 = arith.constant 128 : i32
    %add3A_11 = arith.addi %multiple_of3A, %add3A_10 : i32
    "tpu.region"() ({
      %run_scoped3A = tpu.sem_alloc : memref<!tpu.dma_semaphore, #tpu.memory_space<semaphore_mem>>
      %dma_start3A_56 = arith.constant 0 : i32
      %dma_start3A_57 = arith.constant 0 : i32
      %dma_start3A_58 = tpu.memref_slice %arg10[%dma_start3A_56, %dma_start3A_57] : memref<256x144xf32, #tpu.memory_space<vmem>> -> memref<128x144xf32, #tpu.memory_space<vmem>>
      %dma_start3A_59 = arith.constant 0 : i32
      %dma_start3A_60 = tpu.memref_slice %arg11[%add3A_11, %dma_start3A_59] : memref<10112x144xf32, #tpu.memory_space<vmem_shared>> -> memref<128x144xf32, #tpu.memory_space<vmem_shared>>
      %dma_start3A_61 = arith.constant 0 : i32
      %dma_start3A_62 = tpu.memref_slice %arg11[%add3A_11, %dma_start3A_61] : memref<10112x144xf32, #tpu.memory_space<vmem_shared>> -> memref<128x144xf32, #tpu.memory_space<vmem_shared>>
      %dma_start3A_63 = arith.constant 0 : i32
      %dma_start3A_64 = arith.constant 0 : i32
      %dma_start3A_65 = tpu.memref_slice %arg10[%dma_start3A_63, %dma_start3A_64] : memref<256x144xf32, #tpu.memory_space<vmem>> -> memref<128x144xf32, #tpu.memory_space<vmem>>
      tpu.enqueue_dma source(%dma_start3A_65 : memref<128x144xf32, #tpu.memory_space<vmem>>) target(%dma_start3A_62 : memref<128x144xf32, #tpu.memory_space<vmem_shared>>) target_semaphore(%run_scoped3A : memref<!tpu.dma_semaphore, #tpu.memory_space<semaphore_mem>>)
      %dma_wait3A = arith.constant 0 : i32
      %dma_wait3A_66 = arith.constant 0 : i32
      %dma_wait3A_67 = tpu.memref_slice %arg10[%dma_wait3A, %dma_wait3A_66] : memref<256x144xf32, #tpu.memory_space<vmem>> -> memref<128x144xf32, #tpu.memory_space<vmem>>
      %dma_wait3A_68 = arith.constant 0 : i32
      %dma_wait3A_69 = tpu.memref_slice %arg11[%add3A_11, %dma_wait3A_68] : memref<10112x144xf32, #tpu.memory_space<vmem_shared>> -> memref<128x144xf32, #tpu.memory_space<vmem_shared>>
      %dma_wait3A_70 = arith.constant 0 : i32
      %dma_wait3A_71 = tpu.memref_slice %arg11[%add3A_11, %dma_wait3A_70] : memref<10112x144xf32, #tpu.memory_space<vmem_shared>> -> memref<128x144xf32, #tpu.memory_space<vmem_shared>>
      %dma_wait3A_72 = arith.constant 0 : i32
      %dma_wait3A_73 = arith.constant 0 : i32
      %dma_wait3A_74 = tpu.memref_slice %arg10[%dma_wait3A_72, %dma_wait3A_73] : memref<256x144xf32, #tpu.memory_space<vmem>> -> memref<128x144xf32, #tpu.memory_space<vmem>>
      tpu.wait_dma2 semaphore(%run_scoped3A : memref<!tpu.dma_semaphore, #tpu.memory_space<semaphore_mem>>) src(%dma_wait3A_74 : memref<128x144xf32, #tpu.memory_space<vmem>>) dst(%dma_wait3A_71 : memref<128x144xf32, #tpu.memory_space<vmem_shared>>)
      tpu.yield
    }) : () -> ()
    %add3A_12 = arith.constant 256 : i32
    %add3A_13 = arith.addi %multiple_of3A, %add3A_12 : i32
    "tpu.region"() ({
      %run_scoped3A = tpu.sem_alloc : memref<!tpu.dma_semaphore, #tpu.memory_space<semaphore_mem>>
      %dma_start3A_56 = arith.constant 0 : i32
      %dma_start3A_57 = arith.constant 0 : i32
      %dma_start3A_58 = tpu.memref_slice %arg10[%dma_start3A_56, %dma_start3A_57] : memref<256x144xf32, #tpu.memory_space<vmem>> -> memref<128x144xf32, #tpu.memory_space<vmem>>
      %dma_start3A_59 = arith.constant 0 : i32
      %dma_start3A_60 = tpu.memref_slice %arg11[%add3A_13, %dma_start3A_59] : memref<10112x144xf32, #tpu.memory_space<vmem_shared>> -> memref<128x144xf32, #tpu.memory_space<vmem_shared>>
      %dma_start3A_61 = arith.constant 0 : i32
      %dma_start3A_62 = tpu.memref_slice %arg11[%add3A_13, %dma_start3A_61] : memref<10112x144xf32, #tpu.memory_space<vmem_shared>> -> memref<128x144xf32, #tpu.memory_space<vmem_shared>>
      %dma_start3A_63 = arith.constant 0 : i32
      %dma_start3A_64 = arith.constant 0 : i32
      %dma_start3A_65 = tpu.memref_slice %arg10[%dma_start3A_63, %dma_start3A_64] : memref<256x144xf32, #tpu.memory_space<vmem>> -> memref<128x144xf32, #tpu.memory_space<vmem>>
      tpu.enqueue_dma source(%dma_start3A_65 : memref<128x144xf32, #tpu.memory_space<vmem>>) target(%dma_start3A_62 : memref<128x144xf32, #tpu.memory_space<vmem_shared>>) target_semaphore(%run_scoped3A : memref<!tpu.dma_semaphore, #tpu.memory_space<semaphore_mem>>)
      %dma_wait3A = arith.constant 0 : i32
      %dma_wait3A_66 = arith.constant 0 : i32
      %dma_wait3A_67 = tpu.memref_slice %arg10[%dma_wait3A, %dma_wait3A_66] : memref<256x144xf32, #tpu.memory_space<vmem>> -> memref<128x144xf32, #tpu.memory_space<vmem>>
      %dma_wait3A_68 = arith.constant 0 : i32
      %dma_wait3A_69 = tpu.memref_slice %arg11[%add3A_13, %dma_wait3A_68] : memref<10112x144xf32, #tpu.memory_space<vmem_shared>> -> memref<128x144xf32, #tpu.memory_space<vmem_shared>>
      %dma_wait3A_70 = arith.constant 0 : i32
      %dma_wait3A_71 = tpu.memref_slice %arg11[%add3A_13, %dma_wait3A_70] : memref<10112x144xf32, #tpu.memory_space<vmem_shared>> -> memref<128x144xf32, #tpu.memory_space<vmem_shared>>
      %dma_wait3A_72 = arith.constant 0 : i32
      %dma_wait3A_73 = arith.constant 0 : i32
      %dma_wait3A_74 = tpu.memref_slice %arg10[%dma_wait3A_72, %dma_wait3A_73] : memref<256x144xf32, #tpu.memory_space<vmem>> -> memref<128x144xf32, #tpu.memory_space<vmem>>
      tpu.wait_dma2 semaphore(%run_scoped3A : memref<!tpu.dma_semaphore, #tpu.memory_space<semaphore_mem>>) src(%dma_wait3A_74 : memref<128x144xf32, #tpu.memory_space<vmem>>) dst(%dma_wait3A_71 : memref<128x144xf32, #tpu.memory_space<vmem_shared>>)
      tpu.yield
    }) : () -> ()
    %add3A_14 = arith.constant 384 : i32
    %add3A_15 = arith.addi %multiple_of3A, %add3A_14 : i32
    "tpu.region"() ({
      %run_scoped3A = tpu.sem_alloc : memref<!tpu.dma_semaphore, #tpu.memory_space<semaphore_mem>>
      %dma_start3A_56 = arith.constant 0 : i32
      %dma_start3A_57 = arith.constant 0 : i32
      %dma_start3A_58 = tpu.memref_slice %arg10[%dma_start3A_56, %dma_start3A_57] : memref<256x144xf32, #tpu.memory_space<vmem>> -> memref<128x144xf32, #tpu.memory_space<vmem>>
      %dma_start3A_59 = arith.constant 0 : i32
      %dma_start3A_60 = tpu.memref_slice %arg11[%add3A_15, %dma_start3A_59] : memref<10112x144xf32, #tpu.memory_space<vmem_shared>> -> memref<128x144xf32, #tpu.memory_space<vmem_shared>>
      %dma_start3A_61 = arith.constant 0 : i32
      %dma_start3A_62 = tpu.memref_slice %arg11[%add3A_15, %dma_start3A_61] : memref<10112x144xf32, #tpu.memory_space<vmem_shared>> -> memref<128x144xf32, #tpu.memory_space<vmem_shared>>
      %dma_start3A_63 = arith.constant 0 : i32
      %dma_start3A_64 = arith.constant 0 : i32
      %dma_start3A_65 = tpu.memref_slice %arg10[%dma_start3A_63, %dma_start3A_64] : memref<256x144xf32, #tpu.memory_space<vmem>> -> memref<128x144xf32, #tpu.memory_space<vmem>>
      tpu.enqueue_dma source(%dma_start3A_65 : memref<128x144xf32, #tpu.memory_space<vmem>>) target(%dma_start3A_62 : memref<128x144xf32, #tpu.memory_space<vmem_shared>>) target_semaphore(%run_scoped3A : memref<!tpu.dma_semaphore, #tpu.memory_space<semaphore_mem>>)
      %dma_wait3A = arith.constant 0 : i32
      %dma_wait3A_66 = arith.constant 0 : i32
      %dma_wait3A_67 = tpu.memref_slice %arg10[%dma_wait3A, %dma_wait3A_66] : memref<256x144xf32, #tpu.memory_space<vmem>> -> memref<128x144xf32, #tpu.memory_space<vmem>>
      %dma_wait3A_68 = arith.constant 0 : i32
      %dma_wait3A_69 = tpu.memref_slice %arg11[%add3A_15, %dma_wait3A_68] : memref<10112x144xf32, #tpu.memory_space<vmem_shared>> -> memref<128x144xf32, #tpu.memory_space<vmem_shared>>
      %dma_wait3A_70 = arith.constant 0 : i32
      %dma_wait3A_71 = tpu.memref_slice %arg11[%add3A_15, %dma_wait3A_70] : memref<10112x144xf32, #tpu.memory_space<vmem_shared>> -> memref<128x144xf32, #tpu.memory_space<vmem_shared>>
      %dma_wait3A_72 = arith.constant 0 : i32
      %dma_wait3A_73 = arith.constant 0 : i32
      %dma_wait3A_74 = tpu.memref_slice %arg10[%dma_wait3A_72, %dma_wait3A_73] : memref<256x144xf32, #tpu.memory_space<vmem>> -> memref<128x144xf32, #tpu.memory_space<vmem>>
      tpu.wait_dma2 semaphore(%run_scoped3A : memref<!tpu.dma_semaphore, #tpu.memory_space<semaphore_mem>>) src(%dma_wait3A_74 : memref<128x144xf32, #tpu.memory_space<vmem>>) dst(%dma_wait3A_71 : memref<128x144xf32, #tpu.memory_space<vmem_shared>>)
      tpu.yield
    }) : () -> ()
    %add3A_16 = arith.constant 512 : i32
    %add3A_17 = arith.addi %multiple_of3A, %add3A_16 : i32
    "tpu.region"() ({
      %run_scoped3A = tpu.sem_alloc : memref<!tpu.dma_semaphore, #tpu.memory_space<semaphore_mem>>
      %dma_start3A_56 = arith.constant 0 : i32
      %dma_start3A_57 = arith.constant 0 : i32
      %dma_start3A_58 = tpu.memref_slice %arg10[%dma_start3A_56, %dma_start3A_57] : memref<256x144xf32, #tpu.memory_space<vmem>> -> memref<120x144xf32, #tpu.memory_space<vmem>>
      %dma_start3A_59 = arith.constant 0 : i32
      %dma_start3A_60 = tpu.memref_slice %arg11[%add3A_17, %dma_start3A_59] : memref<10112x144xf32, #tpu.memory_space<vmem_shared>> -> memref<120x144xf32, #tpu.memory_space<vmem_shared>>
      %dma_start3A_61 = arith.constant 0 : i32
      %dma_start3A_62 = tpu.memref_slice %arg11[%add3A_17, %dma_start3A_61] : memref<10112x144xf32, #tpu.memory_space<vmem_shared>> -> memref<120x144xf32, #tpu.memory_space<vmem_shared>>
      %dma_start3A_63 = arith.constant 0 : i32
      %dma_start3A_64 = arith.constant 0 : i32
      %dma_start3A_65 = tpu.memref_slice %arg10[%dma_start3A_63, %dma_start3A_64] : memref<256x144xf32, #tpu.memory_space<vmem>> -> memref<120x144xf32, #tpu.memory_space<vmem>>
      tpu.enqueue_dma source(%dma_start3A_65 : memref<120x144xf32, #tpu.memory_space<vmem>>) target(%dma_start3A_62 : memref<120x144xf32, #tpu.memory_space<vmem_shared>>) target_semaphore(%run_scoped3A : memref<!tpu.dma_semaphore, #tpu.memory_space<semaphore_mem>>)
      %dma_wait3A = arith.constant 0 : i32
      %dma_wait3A_66 = arith.constant 0 : i32
      %dma_wait3A_67 = tpu.memref_slice %arg10[%dma_wait3A, %dma_wait3A_66] : memref<256x144xf32, #tpu.memory_space<vmem>> -> memref<120x144xf32, #tpu.memory_space<vmem>>
      %dma_wait3A_68 = arith.constant 0 : i32
      %dma_wait3A_69 = tpu.memref_slice %arg11[%add3A_17, %dma_wait3A_68] : memref<10112x144xf32, #tpu.memory_space<vmem_shared>> -> memref<120x144xf32, #tpu.memory_space<vmem_shared>>
      %dma_wait3A_70 = arith.constant 0 : i32
      %dma_wait3A_71 = tpu.memref_slice %arg11[%add3A_17, %dma_wait3A_70] : memref<10112x144xf32, #tpu.memory_space<vmem_shared>> -> memref<120x144xf32, #tpu.memory_space<vmem_shared>>
      %dma_wait3A_72 = arith.constant 0 : i32
      %dma_wait3A_73 = arith.constant 0 : i32
      %dma_wait3A_74 = tpu.memref_slice %arg10[%dma_wait3A_72, %dma_wait3A_73] : memref<256x144xf32, #tpu.memory_space<vmem>> -> memref<120x144xf32, #tpu.memory_space<vmem>>
      tpu.wait_dma2 semaphore(%run_scoped3A : memref<!tpu.dma_semaphore, #tpu.memory_space<semaphore_mem>>) src(%dma_wait3A_74 : memref<120x144xf32, #tpu.memory_space<vmem>>) dst(%dma_wait3A_71 : memref<120x144xf32, #tpu.memory_space<vmem_shared>>)
      tpu.yield
    }) : () -> ()
    %barrier3A = arith.constant 0 : index
    tpu.barrier barrier_id(%barrier3A)
    %dma_start3A = arith.constant 0 : i32
    %dma_start3A_18 = arith.constant 0 : i32
    %dma_start3A_19 = tpu.memref_slice %arg3[%add3A, %dma_start3A, %dma_start3A_18] : memref<32x40x256xi32, #tpu.memory_space<hbm>> -> memref<1x1x256xi32, #tpu.memory_space<hbm>>
    %dma_start3A_20 = tpu.memref_squeeze %dma_start3A_19 : memref<1x1x256xi32, #tpu.memory_space<hbm>> -> memref<256xi32, #tpu.memory_space<hbm>>
    %dma_start3A_21 = arith.constant 0 : i32
    %dma_start3A_22 = tpu.memref_slice %arg3[%add3A, %dma_start3A, %dma_start3A_21] : memref<32x40x256xi32, #tpu.memory_space<hbm>> -> memref<1x1x256xi32, #tpu.memory_space<hbm>>
    %dma_start3A_23 = tpu.memref_squeeze %dma_start3A_22 : memref<1x1x256xi32, #tpu.memory_space<hbm>> -> memref<256xi32, #tpu.memory_space<hbm>>
    tpu.enqueue_dma source(%dma_start3A_23 : memref<256xi32, #tpu.memory_space<hbm>>) target(%arg6 : memref<256xi32, #tpu.memory_space<vmem>>) target_semaphore(%arg13 : memref<!tpu.dma_semaphore, #tpu.memory_space<semaphore_mem>>)
    %dma_start3A_24 = arith.constant 0 : i32
    %dma_start3A_25 = arith.constant 0 : i32
    %dma_start3A_26 = arith.constant 0 : i32
    %dma_start3A_27 = tpu.memref_slice %arg4[%add3A, %dma_start3A_24, %dma_start3A_25, %dma_start3A_26] : memref<32x40x2x128xi32, #tpu.memory_space<hbm>> -> memref<1x1x2x128xi32, #tpu.memory_space<hbm>>
    %dma_start3A_28 = tpu.memref_squeeze %dma_start3A_27 : memref<1x1x2x128xi32, #tpu.memory_space<hbm>> -> memref<2x128xi32, #tpu.memory_space<hbm>>
    %dma_start3A_29 = arith.constant 0 : i32
    %dma_start3A_30 = arith.constant 0 : i32
    %dma_start3A_31 = tpu.memref_slice %arg4[%add3A, %dma_start3A_24, %dma_start3A_29, %dma_start3A_30] : memref<32x40x2x128xi32, #tpu.memory_space<hbm>> -> memref<1x1x2x128xi32, #tpu.memory_space<hbm>>
    %dma_start3A_32 = tpu.memref_squeeze %dma_start3A_31 : memref<1x1x2x128xi32, #tpu.memory_space<hbm>> -> memref<2x128xi32, #tpu.memory_space<hbm>>
    tpu.enqueue_dma source(%dma_start3A_32 : memref<2x128xi32, #tpu.memory_space<hbm>>) target(%arg8 : memref<2x128xi32, #tpu.memory_space<vmem>>) target_semaphore(%arg15 : memref<!tpu.dma_semaphore, #tpu.memory_space<semaphore_mem>>)
    %dma_start3A_33 = arith.constant 1 : i32
    %dma_start3A_34 = arith.constant 0 : i32
    %dma_start3A_35 = tpu.memref_slice %arg3[%add3A, %dma_start3A_33, %dma_start3A_34] : memref<32x40x256xi32, #tpu.memory_space<hbm>> -> memref<1x1x256xi32, #tpu.memory_space<hbm>>
    %dma_start3A_36 = tpu.memref_squeeze %dma_start3A_35 : memref<1x1x256xi32, #tpu.memory_space<hbm>> -> memref<256xi32, #tpu.memory_space<hbm>>
    %dma_start3A_37 = arith.constant 0 : i32
    %dma_start3A_38 = tpu.memref_slice %arg3[%add3A, %dma_start3A_33, %dma_start3A_37] : memref<32x40x256xi32, #tpu.memory_space<hbm>> -> memref<1x1x256xi32, #tpu.memory_space<hbm>>
    %dma_start3A_39 = tpu.memref_squeeze %dma_start3A_38 : memref<1x1x256xi32, #tpu.memory_space<hbm>> -> memref<256xi32, #tpu.memory_space<hbm>>
    tpu.enqueue_dma source(%dma_start3A_39 : memref<256xi32, #tpu.memory_space<hbm>>) target(%arg7 : memref<256xi32, #tpu.memory_space<vmem>>) target_semaphore(%arg14 : memref<!tpu.dma_semaphore, #tpu.memory_space<semaphore_mem>>)
    %dma_start3A_40 = arith.constant 1 : i32
    %dma_start3A_41 = arith.constant 0 : i32
    %dma_start3A_42 = arith.constant 0 : i32
    %dma_start3A_43 = tpu.memref_slice %arg4[%add3A, %dma_start3A_40, %dma_start3A_41, %dma_start3A_42] : memref<32x40x2x128xi32, #tpu.memory_space<hbm>> -> memref<1x1x2x128xi32, #tpu.memory_space<hbm>>
    %dma_start3A_44 = tpu.memref_squeeze %dma_start3A_43 : memref<1x1x2x128xi32, #tpu.memory_space<hbm>> -> memref<2x128xi32, #tpu.memory_space<hbm>>
    %dma_start3A_45 = arith.constant 0 : i32
    %dma_start3A_46 = arith.constant 0 : i32
    %dma_start3A_47 = tpu.memref_slice %arg4[%add3A, %dma_start3A_40, %dma_start3A_45, %dma_start3A_46] : memref<32x40x2x128xi32, #tpu.memory_space<hbm>> -> memref<1x1x2x128xi32, #tpu.memory_space<hbm>>
    %dma_start3A_48 = tpu.memref_squeeze %dma_start3A_47 : memref<1x1x2x128xi32, #tpu.memory_space<hbm>> -> memref<2x128xi32, #tpu.memory_space<hbm>>
    tpu.enqueue_dma source(%dma_start3A_48 : memref<2x128xi32, #tpu.memory_space<hbm>>) target(%arg9 : memref<2x128xi32, #tpu.memory_space<vmem>>) target_semaphore(%arg16 : memref<!tpu.dma_semaphore, #tpu.memory_space<semaphore_mem>>)
    %scan3A_49 = arith.constant 0 : i32
    %scan3A_50 = arith.constant 0 : i32
    %scan3A_51 = arith.constant 20 : i32
    %scan3A_52 = arith.addi %scan3A_50, %scan3A_51 : i32
    %scan3A_53 = arith.constant 1 : i32
    scf.for %scan3A_56 = %scan3A_50 to %scan3A_52 step %scan3A_53  : i32 {
      %mul3A_57 = arith.constant 2 : i32
      %mul3A_58 = arith.muli %scan3A_56, %mul3A_57 : i32
      %add3A_59 = arith.constant 2 : i32
      %add3A_60 = arith.addi %mul3A_58, %add3A_59 : i32
      %lt3A = arith.constant 40 : i32
      %lt3A_61 = arith.cmpi slt, %add3A_60, %lt3A : i32
      %dma_wait3A = arith.constant 0 : i32
      %dma_wait3A_62 = tpu.memref_slice %arg3[%add3A, %mul3A_58, %dma_wait3A] : memref<32x40x256xi32, #tpu.memory_space<hbm>> -> memref<1x1x256xi32, #tpu.memory_space<hbm>>
      %dma_wait3A_63 = tpu.memref_squeeze %dma_wait3A_62 : memref<1x1x256xi32, #tpu.memory_space<hbm>> -> memref<256xi32, #tpu.memory_space<hbm>>
      %dma_wait3A_64 = arith.constant 0 : i32
      %dma_wait3A_65 = tpu.memref_slice %arg3[%add3A, %mul3A_58, %dma_wait3A_64] : memref<32x40x256xi32, #tpu.memory_space<hbm>> -> memref<1x1x256xi32, #tpu.memory_space<hbm>>
      %dma_wait3A_66 = tpu.memref_squeeze %dma_wait3A_65 : memref<1x1x256xi32, #tpu.memory_space<hbm>> -> memref<256xi32, #tpu.memory_space<hbm>>
      tpu.wait_dma2 semaphore(%arg13 : memref<!tpu.dma_semaphore, #tpu.memory_space<semaphore_mem>>) src(%dma_wait3A_66 : memref<256xi32, #tpu.memory_space<hbm>>) dst(%arg6 : memref<256xi32, #tpu.memory_space<vmem>>)
      %dma_start3A_67 = arith.constant 0 : i32
      %dma_start3A_68 = arith.constant 0 : i32
      %dma_start3A_69 = tpu.memref_slice %arg2[%dma_start3A_67, %dma_start3A_68] : memref<10000x144xf32, #tpu.memory_space<hbm>> -> memref<10000x144xf32, #tpu.memory_space<hbm>>
      tpu.enqueue_indirect_dma source(%dma_start3A_69 : memref<10000x144xf32, #tpu.memory_space<hbm>>) target(%arg10 : memref<256x144xf32, #tpu.memory_space<vmem>>) offsets(%arg6 : memref<256xi32, #tpu.memory_space<vmem>>) semaphore(%arg12 : memref<!tpu.dma_semaphore, #tpu.memory_space<semaphore_mem>>)
      %dma_wait3A_70 = arith.constant 0 : i32
      %dma_wait3A_71 = arith.constant 0 : i32
      %dma_wait3A_72 = tpu.memref_slice %arg2[%dma_wait3A_70, %dma_wait3A_71] : memref<10000x144xf32, #tpu.memory_space<hbm>> -> memref<10000x144xf32, #tpu.memory_space<hbm>>
      tpu.wait_indirect_dma semaphore(%arg12 : memref<!tpu.dma_semaphore, #tpu.memory_space<semaphore_mem>>) src(%dma_wait3A_72 : memref<10000x144xf32, #tpu.memory_space<hbm>>) dst(%arg10 : memref<256x144xf32, #tpu.memory_space<vmem>>)
      %convert_element_type3A = arith.extui %lt3A_61 : i1 to i32
      %cond3A = arith.constant 0 : i32
      %cond3A_73 = arith.cmpi ne, %convert_element_type3A, %cond3A : i32
      scf.if %cond3A_73 {
        %add3A_120 = arith.constant 2 : i32
        %add3A_121 = arith.addi %mul3A_58, %add3A_120 : i32
        %dma_start3A_122 = arith.constant 0 : i32
        %dma_start3A_123 = tpu.memref_slice %arg3[%add3A, %add3A_121, %dma_start3A_122] : memref<32x40x256xi32, #tpu.memory_space<hbm>> -> memref<1x1x256xi32, #tpu.memory_space<hbm>>
        %dma_start3A_124 = tpu.memref_squeeze %dma_start3A_123 : memref<1x1x256xi32, #tpu.memory_space<hbm>> -> memref<256xi32, #tpu.memory_space<hbm>>
        %dma_start3A_125 = arith.constant 0 : i32
        %dma_start3A_126 = tpu.memref_slice %arg3[%add3A, %add3A_121, %dma_start3A_125] : memref<32x40x256xi32, #tpu.memory_space<hbm>> -> memref<1x1x256xi32, #tpu.memory_space<hbm>>
        %dma_start3A_127 = tpu.memref_squeeze %dma_start3A_126 : memref<1x1x256xi32, #tpu.memory_space<hbm>> -> memref<256xi32, #tpu.memory_space<hbm>>
        tpu.enqueue_dma source(%dma_start3A_127 : memref<256xi32, #tpu.memory_space<hbm>>) target(%arg6 : memref<256xi32, #tpu.memory_space<vmem>>) target_semaphore(%arg13 : memref<!tpu.dma_semaphore, #tpu.memory_space<semaphore_mem>>)
      } else {
      }
      %dma_wait3A_74 = arith.constant 0 : i32
      %dma_wait3A_75 = arith.constant 0 : i32
      %dma_wait3A_76 = tpu.memref_slice %arg4[%add3A, %mul3A_58, %dma_wait3A_74, %dma_wait3A_75] : memref<32x40x2x128xi32, #tpu.memory_space<hbm>> -> memref<1x1x2x128xi32, #tpu.memory_space<hbm>>
      %dma_wait3A_77 = tpu.memref_squeeze %dma_wait3A_76 : memref<1x1x2x128xi32, #tpu.memory_space<hbm>> -> memref<2x128xi32, #tpu.memory_space<hbm>>
      %dma_wait3A_78 = arith.constant 0 : i32
      %dma_wait3A_79 = arith.constant 0 : i32
      %dma_wait3A_80 = tpu.memref_slice %arg4[%add3A, %mul3A_58, %dma_wait3A_78, %dma_wait3A_79] : memref<32x40x2x128xi32, #tpu.memory_space<hbm>> -> memref<1x1x2x128xi32, #tpu.memory_space<hbm>>
      %dma_wait3A_81 = tpu.memref_squeeze %dma_wait3A_80 : memref<1x1x2x128xi32, #tpu.memory_space<hbm>> -> memref<2x128xi32, #tpu.memory_space<hbm>>
      tpu.wait_dma2 semaphore(%arg15 : memref<!tpu.dma_semaphore, #tpu.memory_space<semaphore_mem>>) src(%dma_wait3A_81 : memref<2x128xi32, #tpu.memory_space<hbm>>) dst(%arg8 : memref<2x128xi32, #tpu.memory_space<vmem>>)
      %run_scoped3A = arith.constant 0 : i32
      "tpu.region"() ({
        %run_scoped3A_120 = tpu.sem_alloc : memref<!tpu.dma_semaphore, #tpu.memory_space<semaphore_mem>>
        %dma_start3A_121 = arith.constant 0 : i32
        %dma_start3A_122 = arith.constant 0 : i32
        %dma_start3A_123 = tpu.memref_slice %arg10[%dma_start3A_121, %dma_start3A_122] : memref<256x144xf32, #tpu.memory_space<vmem>> -> memref<128x144xf32, #tpu.memory_space<vmem>>
        %dma_start3A_124 = arith.constant 0 : i32
        %dma_start3A_125 = tpu.memref_slice %arg8[%run_scoped3A, %dma_start3A_124] : memref<2x128xi32, #tpu.memory_space<vmem>> -> memref<1x128xi32, #tpu.memory_space<vmem>>
        %dma_start3A_126 = tpu.memref_squeeze %dma_start3A_125 : memref<1x128xi32, #tpu.memory_space<vmem>> -> memref<128xi32, #tpu.memory_space<vmem>>
        %dma_start3A_127 = arith.constant 0 : i32
        %dma_start3A_128 = arith.constant 0 : i32
        %dma_start3A_129 = tpu.memref_slice %arg11[%dma_start3A_127, %dma_start3A_128] : memref<10112x144xf32, #tpu.memory_space<vmem_shared>> -> memref<10112x144xf32, #tpu.memory_space<vmem_shared>>
        tpu.enqueue_indirect_dma source(%dma_start3A_123 : memref<128x144xf32, #tpu.memory_space<vmem>>) target(%dma_start3A_129 : memref<10112x144xf32, #tpu.memory_space<vmem_shared>>) offsets(%dma_start3A_126 : memref<128xi32, #tpu.memory_space<vmem>>) semaphore(%run_scoped3A_120 : memref<!tpu.dma_semaphore, #tpu.memory_space<semaphore_mem>>) {add = true}
        %dma_wait3A_130 = arith.constant 0 : i32
        %dma_wait3A_131 = arith.constant 0 : i32
        %dma_wait3A_132 = tpu.memref_slice %arg10[%dma_wait3A_130, %dma_wait3A_131] : memref<256x144xf32, #tpu.memory_space<vmem>> -> memref<128x144xf32, #tpu.memory_space<vmem>>
        %dma_wait3A_133 = arith.constant 0 : i32
        %dma_wait3A_134 = tpu.memref_slice %arg8[%run_scoped3A, %dma_wait3A_133] : memref<2x128xi32, #tpu.memory_space<vmem>> -> memref<1x128xi32, #tpu.memory_space<vmem>>
        %dma_wait3A_135 = tpu.memref_squeeze %dma_wait3A_134 : memref<1x128xi32, #tpu.memory_space<vmem>> -> memref<128xi32, #tpu.memory_space<vmem>>
        %dma_wait3A_136 = arith.constant 0 : i32
        %dma_wait3A_137 = arith.constant 0 : i32
        %dma_wait3A_138 = tpu.memref_slice %arg11[%dma_wait3A_136, %dma_wait3A_137] : memref<10112x144xf32, #tpu.memory_space<vmem_shared>> -> memref<10112x144xf32, #tpu.memory_space<vmem_shared>>
        tpu.wait_indirect_dma semaphore(%run_scoped3A_120 : memref<!tpu.dma_semaphore, #tpu.memory_space<semaphore_mem>>) src(%dma_wait3A_132 : memref<128x144xf32, #tpu.memory_space<vmem>>) dst(%dma_wait3A_138 : memref<10112x144xf32, #tpu.memory_space<vmem_shared>>)
        tpu.yield
      }) : () -> ()
      %run_scoped3A_82 = arith.constant 1 : i32
      "tpu.region"() ({
        %run_scoped3A_120 = tpu.sem_alloc : memref<!tpu.dma_semaphore, #tpu.memory_space<semaphore_mem>>
        %dma_start3A_121 = arith.constant 128 : i32
        %dma_start3A_122 = arith.constant 0 : i32
        %dma_start3A_123 = tpu.memref_slice %arg10[%dma_start3A_121, %dma_start3A_122] : memref<256x144xf32, #tpu.memory_space<vmem>> -> memref<128x144xf32, #tpu.memory_space<vmem>>
        %dma_start3A_124 = arith.constant 0 : i32
        %dma_start3A_125 = tpu.memref_slice %arg8[%run_scoped3A_82, %dma_start3A_124] : memref<2x128xi32, #tpu.memory_space<vmem>> -> memref<1x128xi32, #tpu.memory_space<vmem>>
        %dma_start3A_126 = tpu.memref_squeeze %dma_start3A_125 : memref<1x128xi32, #tpu.memory_space<vmem>> -> memref<128xi32, #tpu.memory_space<vmem>>
        %dma_start3A_127 = arith.constant 0 : i32
        %dma_start3A_128 = arith.constant 0 : i32
        %dma_start3A_129 = tpu.memref_slice %arg11[%dma_start3A_127, %dma_start3A_128] : memref<10112x144xf32, #tpu.memory_space<vmem_shared>> -> memref<10112x144xf32, #tpu.memory_space<vmem_shared>>
        tpu.enqueue_indirect_dma source(%dma_start3A_123 : memref<128x144xf32, #tpu.memory_space<vmem>>) target(%dma_start3A_129 : memref<10112x144xf32, #tpu.memory_space<vmem_shared>>) offsets(%dma_start3A_126 : memref<128xi32, #tpu.memory_space<vmem>>) semaphore(%run_scoped3A_120 : memref<!tpu.dma_semaphore, #tpu.memory_space<semaphore_mem>>) {add = true}
        %dma_wait3A_130 = arith.constant 128 : i32
        %dma_wait3A_131 = arith.constant 0 : i32
        %dma_wait3A_132 = tpu.memref_slice %arg10[%dma_wait3A_130, %dma_wait3A_131] : memref<256x144xf32, #tpu.memory_space<vmem>> -> memref<128x144xf32, #tpu.memory_space<vmem>>
        %dma_wait3A_133 = arith.constant 0 : i32
        %dma_wait3A_134 = tpu.memref_slice %arg8[%run_scoped3A_82, %dma_wait3A_133] : memref<2x128xi32, #tpu.memory_space<vmem>> -> memref<1x128xi32, #tpu.memory_space<vmem>>
        %dma_wait3A_135 = tpu.memref_squeeze %dma_wait3A_134 : memref<1x128xi32, #tpu.memory_space<vmem>> -> memref<128xi32, #tpu.memory_space<vmem>>
        %dma_wait3A_136 = arith.constant 0 : i32
        %dma_wait3A_137 = arith.constant 0 : i32
        %dma_wait3A_138 = tpu.memref_slice %arg11[%dma_wait3A_136, %dma_wait3A_137] : memref<10112x144xf32, #tpu.memory_space<vmem_shared>> -> memref<10112x144xf32, #tpu.memory_space<vmem_shared>>
        tpu.wait_indirect_dma semaphore(%run_scoped3A_120 : memref<!tpu.dma_semaphore, #tpu.memory_space<semaphore_mem>>) src(%dma_wait3A_132 : memref<128x144xf32, #tpu.memory_space<vmem>>) dst(%dma_wait3A_138 : memref<10112x144xf32, #tpu.memory_space<vmem_shared>>)
        tpu.yield
      }) : () -> ()
      %convert_element_type3A_83 = arith.extui %lt3A_61 : i1 to i32
      %cond3A_84 = arith.constant 0 : i32
      %cond3A_85 = arith.cmpi ne, %convert_element_type3A_83, %cond3A_84 : i32
      scf.if %cond3A_85 {
        %add3A_120 = arith.constant 2 : i32
        %add3A_121 = arith.addi %mul3A_58, %add3A_120 : i32
        %dma_start3A_122 = arith.constant 0 : i32
        %dma_start3A_123 = arith.constant 0 : i32
        %dma_start3A_124 = tpu.memref_slice %arg4[%add3A, %add3A_121, %dma_start3A_122, %dma_start3A_123] : memref<32x40x2x128xi32, #tpu.memory_space<hbm>> -> memref<1x1x2x128xi32, #tpu.memory_space<hbm>>
        %dma_start3A_125 = tpu.memref_squeeze %dma_start3A_124 : memref<1x1x2x128xi32, #tpu.memory_space<hbm>> -> memref<2x128xi32, #tpu.memory_space<hbm>>
        %dma_start3A_126 = arith.constant 0 : i32
        %dma_start3A_127 = arith.constant 0 : i32
        %dma_start3A_128 = tpu.memref_slice %arg4[%add3A, %add3A_121, %dma_start3A_126, %dma_start3A_127] : memref<32x40x2x128xi32, #tpu.memory_space<hbm>> -> memref<1x1x2x128xi32, #tpu.memory_space<hbm>>
        %dma_start3A_129 = tpu.memref_squeeze %dma_start3A_128 : memref<1x1x2x128xi32, #tpu.memory_space<hbm>> -> memref<2x128xi32, #tpu.memory_space<hbm>>
        tpu.enqueue_dma source(%dma_start3A_129 : memref<2x128xi32, #tpu.memory_space<hbm>>) target(%arg8 : memref<2x128xi32, #tpu.memory_space<vmem>>) target_semaphore(%arg15 : memref<!tpu.dma_semaphore, #tpu.memory_space<semaphore_mem>>)
      } else {
      }
      %add3A_86 = arith.constant 1 : i32
      %add3A_87 = arith.addi %mul3A_58, %add3A_86 : i32
      %add3A_88 = arith.constant 2 : i32
      %add3A_89 = arith.addi %add3A_87, %add3A_88 : i32
      %lt3A_90 = arith.constant 40 : i32
      %lt3A_91 = arith.cmpi slt, %add3A_89, %lt3A_90 : i32
      %dma_wait3A_92 = arith.constant 0 : i32
      %dma_wait3A_93 = tpu.memref_slice %arg3[%add3A, %add3A_87, %dma_wait3A_92] : memref<32x40x256xi32, #tpu.memory_space<hbm>> -> memref<1x1x256xi32, #tpu.memory_space<hbm>>
      %dma_wait3A_94 = tpu.memref_squeeze %dma_wait3A_93 : memref<1x1x256xi32, #tpu.memory_space<hbm>> -> memref<256xi32, #tpu.memory_space<hbm>>
      %dma_wait3A_95 = arith.constant 0 : i32
      %dma_wait3A_96 = tpu.memref_slice %arg3[%add3A, %add3A_87, %dma_wait3A_95] : memref<32x40x256xi32, #tpu.memory_space<hbm>> -> memref<1x1x256xi32, #tpu.memory_space<hbm>>
      %dma_wait3A_97 = tpu.memref_squeeze %dma_wait3A_96 : memref<1x1x256xi32, #tpu.memory_space<hbm>> -> memref<256xi32, #tpu.memory_space<hbm>>
      tpu.wait_dma2 semaphore(%arg14 : memref<!tpu.dma_semaphore, #tpu.memory_space<semaphore_mem>>) src(%dma_wait3A_97 : memref<256xi32, #tpu.memory_space<hbm>>) dst(%arg7 : memref<256xi32, #tpu.memory_space<vmem>>)
      %dma_start3A_98 = arith.constant 0 : i32
      %dma_start3A_99 = arith.constant 0 : i32
      %dma_start3A_100 = tpu.memref_slice %arg2[%dma_start3A_98, %dma_start3A_99] : memref<10000x144xf32, #tpu.memory_space<hbm>> -> memref<10000x144xf32, #tpu.memory_space<hbm>>
      tpu.enqueue_indirect_dma source(%dma_start3A_100 : memref<10000x144xf32, #tpu.memory_space<hbm>>) target(%arg10 : memref<256x144xf32, #tpu.memory_space<vmem>>) offsets(%arg7 : memref<256xi32, #tpu.memory_space<vmem>>) semaphore(%arg12 : memref<!tpu.dma_semaphore, #tpu.memory_space<semaphore_mem>>)
      %dma_wait3A_101 = arith.constant 0 : i32
      %dma_wait3A_102 = arith.constant 0 : i32
      %dma_wait3A_103 = tpu.memref_slice %arg2[%dma_wait3A_101, %dma_wait3A_102] : memref<10000x144xf32, #tpu.memory_space<hbm>> -> memref<10000x144xf32, #tpu.memory_space<hbm>>
      tpu.wait_indirect_dma semaphore(%arg12 : memref<!tpu.dma_semaphore, #tpu.memory_space<semaphore_mem>>) src(%dma_wait3A_103 : memref<10000x144xf32, #tpu.memory_space<hbm>>) dst(%arg10 : memref<256x144xf32, #tpu.memory_space<vmem>>)
      %convert_element_type3A_104 = arith.extui %lt3A_91 : i1 to i32
      %cond3A_105 = arith.constant 0 : i32
      %cond3A_106 = arith.cmpi ne, %convert_element_type3A_104, %cond3A_105 : i32
      scf.if %cond3A_106 {
        %add3A_120 = arith.constant 2 : i32
        %add3A_121 = arith.addi %add3A_87, %add3A_120 : i32
        %dma_start3A_122 = arith.constant 0 : i32
        %dma_start3A_123 = tpu.memref_slice %arg3[%add3A, %add3A_121, %dma_start3A_122] : memref<32x40x256xi32, #tpu.memory_space<hbm>> -> memref<1x1x256xi32, #tpu.memory_space<hbm>>
        %dma_start3A_124 = tpu.memref_squeeze %dma_start3A_123 : memref<1x1x256xi32, #tpu.memory_space<hbm>> -> memref<256xi32, #tpu.memory_space<hbm>>
        %dma_start3A_125 = arith.constant 0 : i32
        %dma_start3A_126 = tpu.memref_slice %arg3[%add3A, %add3A_121, %dma_start3A_125] : memref<32x40x256xi32, #tpu.memory_space<hbm>> -> memref<1x1x256xi32, #tpu.memory_space<hbm>>
        %dma_start3A_127 = tpu.memref_squeeze %dma_start3A_126 : memref<1x1x256xi32, #tpu.memory_space<hbm>> -> memref<256xi32, #tpu.memory_space<hbm>>
        tpu.enqueue_dma source(%dma_start3A_127 : memref<256xi32, #tpu.memory_space<hbm>>) target(%arg7 : memref<256xi32, #tpu.memory_space<vmem>>) target_semaphore(%arg14 : memref<!tpu.dma_semaphore, #tpu.memory_space<semaphore_mem>>)
      } else {
      }
      %dma_wait3A_107 = arith.constant 0 : i32
      %dma_wait3A_108 = arith.constant 0 : i32
      %dma_wait3A_109 = tpu.memref_slice %arg4[%add3A, %add3A_87, %dma_wait3A_107, %dma_wait3A_108] : memref<32x40x2x128xi32, #tpu.memory_space<hbm>> -> memref<1x1x2x128xi32, #tpu.memory_space<hbm>>
      %dma_wait3A_110 = tpu.memref_squeeze %dma_wait3A_109 : memref<1x1x2x128xi32, #tpu.memory_space<hbm>> -> memref<2x128xi32, #tpu.memory_space<hbm>>
      %dma_wait3A_111 = arith.constant 0 : i32
      %dma_wait3A_112 = arith.constant 0 : i32
      %dma_wait3A_113 = tpu.memref_slice %arg4[%add3A, %add3A_87, %dma_wait3A_111, %dma_wait3A_112] : memref<32x40x2x128xi32, #tpu.memory_space<hbm>> -> memref<1x1x2x128xi32, #tpu.memory_space<hbm>>
      %dma_wait3A_114 = tpu.memref_squeeze %dma_wait3A_113 : memref<1x1x2x128xi32, #tpu.memory_space<hbm>> -> memref<2x128xi32, #tpu.memory_space<hbm>>
      tpu.wait_dma2 semaphore(%arg16 : memref<!tpu.dma_semaphore, #tpu.memory_space<semaphore_mem>>) src(%dma_wait3A_114 : memref<2x128xi32, #tpu.memory_space<hbm>>) dst(%arg9 : memref<2x128xi32, #tpu.memory_space<vmem>>)
      %run_scoped3A_115 = arith.constant 0 : i32
      "tpu.region"() ({
        %run_scoped3A_120 = tpu.sem_alloc : memref<!tpu.dma_semaphore, #tpu.memory_space<semaphore_mem>>
        %dma_start3A_121 = arith.constant 0 : i32
        %dma_start3A_122 = arith.constant 0 : i32
        %dma_start3A_123 = tpu.memref_slice %arg10[%dma_start3A_121, %dma_start3A_122] : memref<256x144xf32, #tpu.memory_space<vmem>> -> memref<128x144xf32, #tpu.memory_space<vmem>>
        %dma_start3A_124 = arith.constant 0 : i32
        %dma_start3A_125 = tpu.memref_slice %arg9[%run_scoped3A_115, %dma_start3A_124] : memref<2x128xi32, #tpu.memory_space<vmem>> -> memref<1x128xi32, #tpu.memory_space<vmem>>
        %dma_start3A_126 = tpu.memref_squeeze %dma_start3A_125 : memref<1x128xi32, #tpu.memory_space<vmem>> -> memref<128xi32, #tpu.memory_space<vmem>>
        %dma_start3A_127 = arith.constant 0 : i32
        %dma_start3A_128 = arith.constant 0 : i32
        %dma_start3A_129 = tpu.memref_slice %arg11[%dma_start3A_127, %dma_start3A_128] : memref<10112x144xf32, #tpu.memory_space<vmem_shared>> -> memref<10112x144xf32, #tpu.memory_space<vmem_shared>>
        tpu.enqueue_indirect_dma source(%dma_start3A_123 : memref<128x144xf32, #tpu.memory_space<vmem>>) target(%dma_start3A_129 : memref<10112x144xf32, #tpu.memory_space<vmem_shared>>) offsets(%dma_start3A_126 : memref<128xi32, #tpu.memory_space<vmem>>) semaphore(%run_scoped3A_120 : memref<!tpu.dma_semaphore, #tpu.memory_space<semaphore_mem>>) {add = true}
        %dma_wait3A_130 = arith.constant 0 : i32
        %dma_wait3A_131 = arith.constant 0 : i32
        %dma_wait3A_132 = tpu.memref_slice %arg10[%dma_wait3A_130, %dma_wait3A_131] : memref<256x144xf32, #tpu.memory_space<vmem>> -> memref<128x144xf32, #tpu.memory_space<vmem>>
        %dma_wait3A_133 = arith.constant 0 : i32
        %dma_wait3A_134 = tpu.memref_slice %arg9[%run_scoped3A_115, %dma_wait3A_133] : memref<2x128xi32, #tpu.memory_space<vmem>> -> memref<1x128xi32, #tpu.memory_space<vmem>>
        %dma_wait3A_135 = tpu.memref_squeeze %dma_wait3A_134 : memref<1x128xi32, #tpu.memory_space<vmem>> -> memref<128xi32, #tpu.memory_space<vmem>>
        %dma_wait3A_136 = arith.constant 0 : i32
        %dma_wait3A_137 = arith.constant 0 : i32
        %dma_wait3A_138 = tpu.memref_slice %arg11[%dma_wait3A_136, %dma_wait3A_137] : memref<10112x144xf32, #tpu.memory_space<vmem_shared>> -> memref<10112x144xf32, #tpu.memory_space<vmem_shared>>
        tpu.wait_indirect_dma semaphore(%run_scoped3A_120 : memref<!tpu.dma_semaphore, #tpu.memory_space<semaphore_mem>>) src(%dma_wait3A_132 : memref<128x144xf32, #tpu.memory_space<vmem>>) dst(%dma_wait3A_138 : memref<10112x144xf32, #tpu.memory_space<vmem_shared>>)
        tpu.yield
      }) : () -> ()
      %run_scoped3A_116 = arith.constant 1 : i32
      "tpu.region"() ({
        %run_scoped3A_120 = tpu.sem_alloc : memref<!tpu.dma_semaphore, #tpu.memory_space<semaphore_mem>>
        %dma_start3A_121 = arith.constant 128 : i32
        %dma_start3A_122 = arith.constant 0 : i32
        %dma_start3A_123 = tpu.memref_slice %arg10[%dma_start3A_121, %dma_start3A_122] : memref<256x144xf32, #tpu.memory_space<vmem>> -> memref<128x144xf32, #tpu.memory_space<vmem>>
        %dma_start3A_124 = arith.constant 0 : i32
        %dma_start3A_125 = tpu.memref_slice %arg9[%run_scoped3A_116, %dma_start3A_124] : memref<2x128xi32, #tpu.memory_space<vmem>> -> memref<1x128xi32, #tpu.memory_space<vmem>>
        %dma_start3A_126 = tpu.memref_squeeze %dma_start3A_125 : memref<1x128xi32, #tpu.memory_space<vmem>> -> memref<128xi32, #tpu.memory_space<vmem>>
        %dma_start3A_127 = arith.constant 0 : i32
        %dma_start3A_128 = arith.constant 0 : i32
        %dma_start3A_129 = tpu.memref_slice %arg11[%dma_start3A_127, %dma_start3A_128] : memref<10112x144xf32, #tpu.memory_space<vmem_shared>> -> memref<10112x144xf32, #tpu.memory_space<vmem_shared>>
        tpu.enqueue_indirect_dma source(%dma_start3A_123 : memref<128x144xf32, #tpu.memory_space<vmem>>) target(%dma_start3A_129 : memref<10112x144xf32, #tpu.memory_space<vmem_shared>>) offsets(%dma_start3A_126 : memref<128xi32, #tpu.memory_space<vmem>>) semaphore(%run_scoped3A_120 : memref<!tpu.dma_semaphore, #tpu.memory_space<semaphore_mem>>) {add = true}
        %dma_wait3A_130 = arith.constant 128 : i32
        %dma_wait3A_131 = arith.constant 0 : i32
        %dma_wait3A_132 = tpu.memref_slice %arg10[%dma_wait3A_130, %dma_wait3A_131] : memref<256x144xf32, #tpu.memory_space<vmem>> -> memref<128x144xf32, #tpu.memory_space<vmem>>
        %dma_wait3A_133 = arith.constant 0 : i32
        %dma_wait3A_134 = tpu.memref_slice %arg9[%run_scoped3A_116, %dma_wait3A_133] : memref<2x128xi32, #tpu.memory_space<vmem>> -> memref<1x128xi32, #tpu.memory_space<vmem>>
        %dma_wait3A_135 = tpu.memref_squeeze %dma_wait3A_134 : memref<1x128xi32, #tpu.memory_space<vmem>> -> memref<128xi32, #tpu.memory_space<vmem>>
        %dma_wait3A_136 = arith.constant 0 : i32
        %dma_wait3A_137 = arith.constant 0 : i32
        %dma_wait3A_138 = tpu.memref_slice %arg11[%dma_wait3A_136, %dma_wait3A_137] : memref<10112x144xf32, #tpu.memory_space<vmem_shared>> -> memref<10112x144xf32, #tpu.memory_space<vmem_shared>>
        tpu.wait_indirect_dma semaphore(%run_scoped3A_120 : memref<!tpu.dma_semaphore, #tpu.memory_space<semaphore_mem>>) src(%dma_wait3A_132 : memref<128x144xf32, #tpu.memory_space<vmem>>) dst(%dma_wait3A_138 : memref<10112x144xf32, #tpu.memory_space<vmem_shared>>)
        tpu.yield
      }) : () -> ()
      %convert_element_type3A_117 = arith.extui %lt3A_91 : i1 to i32
      %cond3A_118 = arith.constant 0 : i32
      %cond3A_119 = arith.cmpi ne, %convert_element_type3A_117, %cond3A_118 : i32
      scf.if %cond3A_119 {
        %add3A_120 = arith.constant 2 : i32
        %add3A_121 = arith.addi %add3A_87, %add3A_120 : i32
        %dma_start3A_122 = arith.constant 0 : i32
        %dma_start3A_123 = arith.constant 0 : i32
        %dma_start3A_124 = tpu.memref_slice %arg4[%add3A, %add3A_121, %dma_start3A_122, %dma_start3A_123] : memref<32x40x2x128xi32, #tpu.memory_space<hbm>> -> memref<1x1x2x128xi32, #tpu.memory_space<hbm>>
        %dma_start3A_125 = tpu.memref_squeeze %dma_start3A_124 : memref<1x1x2x128xi32, #tpu.memory_space<hbm>> -> memref<2x128xi32, #tpu.memory_space<hbm>>
        %dma_start3A_126 = arith.constant 0 : i32
        %dma_start3A_127 = arith.constant 0 : i32
        %dma_start3A_128 = tpu.memref_slice %arg4[%add3A, %add3A_121, %dma_start3A_126, %dma_start3A_127] : memref<32x40x2x128xi32, #tpu.memory_space<hbm>> -> memref<1x1x2x128xi32, #tpu.memory_space<hbm>>
        %dma_start3A_129 = tpu.memref_squeeze %dma_start3A_128 : memref<1x1x2x128xi32, #tpu.memory_space<hbm>> -> memref<2x128xi32, #tpu.memory_space<hbm>>
        tpu.enqueue_dma source(%dma_start3A_129 : memref<2x128xi32, #tpu.memory_space<hbm>>) target(%arg9 : memref<2x128xi32, #tpu.memory_space<vmem>>) target_semaphore(%arg16 : memref<!tpu.dma_semaphore, #tpu.memory_space<semaphore_mem>>)
      } else {
      }
    }
    %scan3A_54 = arith.constant 20 : i32
    %barrier3A_55 = arith.constant 0 : index
    tpu.barrier barrier_id(%barrier3A_55)
    "tpu.region"() ({
      %run_scoped3A = tpu.sem_alloc : memref<!tpu.dma_semaphore, #tpu.memory_space<semaphore_mem>>
      %dma_start3A_56 = arith.constant 0 : i32
      %dma_start3A_57 = tpu.memref_slice %arg5[%arg0, %multiple_of3A, %dma_start3A_56] : memref<2x10112x144xf32, #tpu.memory_space<hbm>> -> memref<1x632x144xf32, #tpu.memory_space<hbm>>
      %dma_start3A_58 = tpu.memref_squeeze %dma_start3A_57 : memref<1x632x144xf32, #tpu.memory_space<hbm>> -> memref<632x144xf32, #tpu.memory_space<hbm>>
      %dma_start3A_59 = arith.constant 0 : i32
      %dma_start3A_60 = tpu.memref_slice %arg11[%multiple_of3A, %dma_start3A_59] : memref<10112x144xf32, #tpu.memory_space<vmem_shared>> -> memref<632x144xf32, #tpu.memory_space<vmem_shared>>
      tpu.enqueue_dma source(%dma_start3A_60 : memref<632x144xf32, #tpu.memory_space<vmem_shared>>) target(%dma_start3A_58 : memref<632x144xf32, #tpu.memory_space<hbm>>) target_semaphore(%run_scoped3A : memref<!tpu.dma_semaphore, #tpu.memory_space<semaphore_mem>>)
      %dma_wait3A = arith.constant 0 : i32
      %dma_wait3A_61 = tpu.memref_slice %arg5[%arg0, %multiple_of3A, %dma_wait3A] : memref<2x10112x144xf32, #tpu.memory_space<hbm>> -> memref<1x632x144xf32, #tpu.memory_space<hbm>>
      %dma_wait3A_62 = tpu.memref_squeeze %dma_wait3A_61 : memref<1x632x144xf32, #tpu.memory_space<hbm>> -> memref<632x144xf32, #tpu.memory_space<hbm>>
      %dma_wait3A_63 = arith.constant 0 : i32
      %dma_wait3A_64 = tpu.memref_slice %arg11[%multiple_of3A, %dma_wait3A_63] : memref<10112x144xf32, #tpu.memory_space<vmem_shared>> -> memref<632x144xf32, #tpu.memory_space<vmem_shared>>
      tpu.wait_dma2 semaphore(%run_scoped3A : memref<!tpu.dma_semaphore, #tpu.memory_space<semaphore_mem>>) src(%dma_wait3A_64 : memref<632x144xf32, #tpu.memory_space<vmem_shared>>) dst(%dma_wait3A_62 : memref<632x144xf32, #tpu.memory_space<hbm>>)
      tpu.yield
    }) : () -> ()
    return
  }
}

#map = affine_map<(d0, d1) -> (0, 0)>
#map1 = affine_map<(d0, d1) -> (0, 0, 0)>
#map2 = affine_map<(d0, d1) -> (0, 0, 0, 0)>
module attributes {stable_mosaic.version = 14 : i64} {
  func.func @sc_agg(%arg0: i32, %arg1: i32, %arg2: memref<10000x144xf32, #tpu.memory_space<hbm>>, %arg3: memref<32x40x256xi32, #tpu.memory_space<hbm>>, %arg4: memref<32x40x2x128xi32, #tpu.memory_space<hbm>>, %arg5: memref<2x10112x144xf32, #tpu.memory_space<hbm>>, %arg6: memref<256xi32, #tpu.memory_space<vmem>>, %arg7: memref<256xi32, #tpu.memory_space<vmem>>, %arg8: memref<2x128xi32, #tpu.memory_space<vmem>>, %arg9: memref<2x128xi32, #tpu.memory_space<vmem>>, %arg10: memref<256x144xf32, #tpu.memory_space<vmem>>, %arg11: memref<10112x144xf32, #tpu.memory_space<vmem_shared>>, %arg12: memref<!tpu.dma_semaphore, #tpu.memory_space<semaphore_mem>>, %arg13: memref<!tpu.dma_semaphore, #tpu.memory_space<semaphore_mem>>, %arg14: memref<!tpu.dma_semaphore, #tpu.memory_space<semaphore_mem>>, %arg15: memref<!tpu.dma_semaphore, #tpu.memory_space<semaphore_mem>>, %arg16: memref<!tpu.dma_semaphore, #tpu.memory_space<semaphore_mem>>, %arg17: memref<!tpu.dma_semaphore, #tpu.memory_space<semaphore_mem>>) attributes {dimension_semantics = [#tpu.dimension_semantics<core_parallel>, #tpu.dimension_semantics<subcore_parallel>], iteration_bounds = array<i64: 2, 16>, scalar_prefetch = 0 : i64, scratch_operands = 12 : i64, tpu.core_type = #tpu.core_type<sc_vector_subcore>, window_params = [{transform_indices = #map}, {transform_indices = #map1}, {transform_indices = #map2}, {transform_indices = #map1}]} {
    %mul3A = arith.constant 2 : i32
    %mul3A_0 = arith.muli %arg1, %mul3A : i32
    %add3A = arith.addi %mul3A_0, %arg0 : i32
    %scan3A = arith.constant 0 : i32
    %scan3A_1 = arith.constant 0 : i32
    %scan3A_2 = arith.constant 128 : i32
    %scan3A_3 = arith.addi %scan3A_1, %scan3A_2 : i32
    %scan3A_4 = arith.constant 1 : i32
    scf.for %scan3A_56 = %scan3A_1 to %scan3A_3 step %scan3A_4  : i32 {
      %broadcast_in_dim3A = arith.constant 0.000000e+00 : f32
      %broadcast_in_dim3A_57 = vector.broadcast %broadcast_in_dim3A : f32 to vector<16xf32>
      %swap3A = arith.index_cast %scan3A_56 : i32 to index
      %swap3A_58 = arith.constant 0 : index
      %swap3A_59 = tpu.vector_load %arg10[%swap3A, %swap3A_58] {strides = array<i32>} : memref<256x144xf32, #tpu.memory_space<vmem>>, vector<1x16xf32>,
      %swap3A_60 = vector.shape_cast %swap3A_59 : vector<1x16xf32> to vector<16xf32>
      %swap3A_61 = vector.shape_cast %broadcast_in_dim3A_57 : vector<16xf32> to vector<1x16xf32>
      tpu.vector_store %arg10[%swap3A, %swap3A_58], %swap3A_61 {strides = array<i32>} : memref<256x144xf32, #tpu.memory_space<vmem>>, vector<1x16xf32>,
      %broadcast_in_dim3A_62 = arith.constant 0.000000e+00 : f32
      %broadcast_in_dim3A_63 = vector.broadcast %broadcast_in_dim3A_62 : f32 to vector<16xf32>
      %swap3A_64 = arith.index_cast %scan3A_56 : i32 to index
      %swap3A_65 = arith.constant 16 : index
      %swap3A_66 = tpu.vector_load %arg10[%swap3A_64, %swap3A_65] {strides = array<i32>} : memref<256x144xf32, #tpu.memory_space<vmem>>, vector<1x16xf32>,
      %swap3A_67 = vector.shape_cast %swap3A_66 : vector<1x16xf32> to vector<16xf32>
      %swap3A_68 = vector.shape_cast %broadcast_in_dim3A_63 : vector<16xf32> to vector<1x16xf32>
      tpu.vector_store %arg10[%swap3A_64, %swap3A_65], %swap3A_68 {strides = array<i32>} : memref<256x144xf32, #tpu.memory_space<vmem>>, vector<1x16xf32>,
      %broadcast_in_dim3A_69 = arith.constant 0.000000e+00 : f32
      %broadcast_in_dim3A_70 = vector.broadcast %broadcast_in_dim3A_69 : f32 to vector<16xf32>
      %swap3A_71 = arith.index_cast %scan3A_56 : i32 to index
      %swap3A_72 = arith.constant 32 : index
      %swap3A_73 = tpu.vector_load %arg10[%swap3A_71, %swap3A_72] {strides = array<i32>} : memref<256x144xf32, #tpu.memory_space<vmem>>, vector<1x16xf32>,
      %swap3A_74 = vector.shape_cast %swap3A_73 : vector<1x16xf32> to vector<16xf32>
      %swap3A_75 = vector.shape_cast %broadcast_in_dim3A_70 : vector<16xf32> to vector<1x16xf32>
      tpu.vector_store %arg10[%swap3A_71, %swap3A_72], %swap3A_75 {strides = array<i32>} : memref<256x144xf32, #tpu.memory_space<vmem>>, vector<1x16xf32>,
      %broadcast_in_dim3A_76 = arith.constant 0.000000e+00 : f32
      %broadcast_in_dim3A_77 = vector.broadcast %broadcast_in_dim3A_76 : f32 to vector<16xf32>
      %swap3A_78 = arith.index_cast %scan3A_56 : i32 to index
      %swap3A_79 = arith.constant 48 : index
      %swap3A_80 = tpu.vector_load %arg10[%swap3A_78, %swap3A_79] {strides = array<i32>} : memref<256x144xf32, #tpu.memory_space<vmem>>, vector<1x16xf32>,
      %swap3A_81 = vector.shape_cast %swap3A_80 : vector<1x16xf32> to vector<16xf32>
      %swap3A_82 = vector.shape_cast %broadcast_in_dim3A_77 : vector<16xf32> to vector<1x16xf32>
      tpu.vector_store %arg10[%swap3A_78, %swap3A_79], %swap3A_82 {strides = array<i32>} : memref<256x144xf32, #tpu.memory_space<vmem>>, vector<1x16xf32>,
      %broadcast_in_dim3A_83 = arith.constant 0.000000e+00 : f32
      %broadcast_in_dim3A_84 = vector.broadcast %broadcast_in_dim3A_83 : f32 to vector<16xf32>
      %swap3A_85 = arith.index_cast %scan3A_56 : i32 to index
      %swap3A_86 = arith.constant 64 : index
      %swap3A_87 = tpu.vector_load %arg10[%swap3A_85, %swap3A_86] {strides = array<i32>} : memref<256x144xf32, #tpu.memory_space<vmem>>, vector<1x16xf32>,
      %swap3A_88 = vector.shape_cast %swap3A_87 : vector<1x16xf32> to vector<16xf32>
      %swap3A_89 = vector.shape_cast %broadcast_in_dim3A_84 : vector<16xf32> to vector<1x16xf32>
      tpu.vector_store %arg10[%swap3A_85, %swap3A_86], %swap3A_89 {strides = array<i32>} : memref<256x144xf32, #tpu.memory_space<vmem>>, vector<1x16xf32>,
      %broadcast_in_dim3A_90 = arith.constant 0.000000e+00 : f32
      %broadcast_in_dim3A_91 = vector.broadcast %broadcast_in_dim3A_90 : f32 to vector<16xf32>
      %swap3A_92 = arith.index_cast %scan3A_56 : i32 to index
      %swap3A_93 = arith.constant 80 : index
      %swap3A_94 = tpu.vector_load %arg10[%swap3A_92, %swap3A_93] {strides = array<i32>} : memref<256x144xf32, #tpu.memory_space<vmem>>, vector<1x16xf32>,
      %swap3A_95 = vector.shape_cast %swap3A_94 : vector<1x16xf32> to vector<16xf32>
      %swap3A_96 = vector.shape_cast %broadcast_in_dim3A_91 : vector<16xf32> to vector<1x16xf32>
      tpu.vector_store %arg10[%swap3A_92, %swap3A_93], %swap3A_96 {strides = array<i32>} : memref<256x144xf32, #tpu.memory_space<vmem>>, vector<1x16xf32>,
      %broadcast_in_dim3A_97 = arith.constant 0.000000e+00 : f32
      %broadcast_in_dim3A_98 = vector.broadcast %broadcast_in_dim3A_97 : f32 to vector<16xf32>
      %swap3A_99 = arith.index_cast %scan3A_56 : i32 to index
      %swap3A_100 = arith.constant 96 : index
      %swap3A_101 = tpu.vector_load %arg10[%swap3A_99, %swap3A_100] {strides = array<i32>} : memref<256x144xf32, #tpu.memory_space<vmem>>, vector<1x16xf32>,
      %swap3A_102 = vector.shape_cast %swap3A_101 : vector<1x16xf32> to vector<16xf32>
      %swap3A_103 = vector.shape_cast %broadcast_in_dim3A_98 : vector<16xf32> to vector<1x16xf32>
      tpu.vector_store %arg10[%swap3A_99, %swap3A_100], %swap3A_103 {strides = array<i32>} : memref<256x144xf32, #tpu.memory_space<vmem>>, vector<1x16xf32>,
      %broadcast_in_dim3A_104 = arith.constant 0.000000e+00 : f32
      %broadcast_in_dim3A_105 = vector.broadcast %broadcast_in_dim3A_104 : f32 to vector<16xf32>
      %swap3A_106 = arith.index_cast %scan3A_56 : i32 to index
      %swap3A_107 = arith.constant 112 : index
      %swap3A_108 = tpu.vector_load %arg10[%swap3A_106, %swap3A_107] {strides = array<i32>} : memref<256x144xf32, #tpu.memory_space<vmem>>, vector<1x16xf32>,
      %swap3A_109 = vector.shape_cast %swap3A_108 : vector<1x16xf32> to vector<16xf32>
      %swap3A_110 = vector.shape_cast %broadcast_in_dim3A_105 : vector<16xf32> to vector<1x16xf32>
      tpu.vector_store %arg10[%swap3A_106, %swap3A_107], %swap3A_110 {strides = array<i32>} : memref<256x144xf32, #tpu.memory_space<vmem>>, vector<1x16xf32>,
      %broadcast_in_dim3A_111 = arith.constant 0.000000e+00 : f32
      %broadcast_in_dim3A_112 = vector.broadcast %broadcast_in_dim3A_111 : f32 to vector<16xf32>
      %swap3A_113 = arith.index_cast %scan3A_56 : i32 to index
      %swap3A_114 = arith.constant 128 : index
      %swap3A_115 = tpu.vector_load %arg10[%swap3A_113, %swap3A_114] {strides = array<i32>} : memref<256x144xf32, #tpu.memory_space<vmem>>, vector<1x16xf32>,
      %swap3A_116 = vector.shape_cast %swap3A_115 : vector<1x16xf32> to vector<16xf32>
      %swap3A_117 = vector.shape_cast %broadcast_in_dim3A_112 : vector<16xf32> to vector<1x16xf32>
      tpu.vector_store %arg10[%swap3A_113, %swap3A_114], %swap3A_117 {strides = array<i32>} : memref<256x144xf32, #tpu.memory_space<vmem>>, vector<1x16xf32>,
    }
    %scan3A_5 = arith.constant 128 : i32
    %mul3A_6 = arith.constant 632 : i32
    %mul3A_7 = arith.muli %arg1, %mul3A_6 : i32
    %multiple_of3A = tpu.assume_multiple %mul3A_7, 8 : i32
    %add3A_8 = arith.constant 0 : i32
    %add3A_9 = arith.addi %multiple_of3A, %add3A_8 : i32
    "tpu.region"() ({
      %run_scoped3A = tpu.sem_alloc : memref<!tpu.dma_semaphore, #tpu.memory_space<semaphore_mem>>
      %dma_start3A_56 = arith.constant 0 : i32
      %dma_start3A_57 = arith.constant 0 : i32
      %dma_start3A_58 = tpu.memref_slice %arg10[%dma_start3A_56, %dma_start3A_57] : memref<256x144xf32, #tpu.memory_space<vmem>> -> memref<128x144xf32, #tpu.memory_space<vmem>>
      %dma_start3A_59 = arith.constant 0 : i32
      %dma_start3A_60 = tpu.memref_slice %arg11[%add3A_9, %dma_start3A_59] : memref<10112x144xf32, #tpu.memory_space<vmem_shared>> -> memref<128x144xf32, #tpu.memory_space<vmem_shared>>
      %dma_start3A_61 = arith.constant 0 : i32
      %dma_start3A_62 = tpu.memref_slice %arg11[%add3A_9, %dma_start3A_61] : memref<10112x144xf32, #tpu.memory_space<vmem_shared>> -> memref<128x144xf32, #tpu.memory_space<vmem_shared>>
      %dma_start3A_63 = arith.constant 0 : i32
      %dma_start3A_64 = arith.constant 0 : i32
      %dma_start3A_65 = tpu.memref_slice %arg10[%dma_start3A_63, %dma_start3A_64] : memref<256x144xf32, #tpu.memory_space<vmem>> -> memref<128x144xf32, #tpu.memory_space<vmem>>
      tpu.enqueue_dma source(%dma_start3A_65 : memref<128x144xf32, #tpu.memory_space<vmem>>) target(%dma_start3A_62 : memref<128x144xf32, #tpu.memory_space<vmem_shared>>) target_semaphore(%run_scoped3A : memref<!tpu.dma_semaphore, #tpu.memory_space<semaphore_mem>>)
      %dma_wait3A = arith.constant 0 : i32
      %dma_wait3A_66 = arith.constant 0 : i32
      %dma_wait3A_67 = tpu.memref_slice %arg10[%dma_wait3A, %dma_wait3A_66] : memref<256x144xf32, #tpu.memory_space<vmem>> -> memref<128x144xf32, #tpu.memory_space<vmem>>
      %dma_wait3A_68 = arith.constant 0 : i32
      %dma_wait3A_69 = tpu.memref_slice %arg11[%add3A_9, %dma_wait3A_68] : memref<10112x144xf32, #tpu.memory_space<vmem_shared>> -> memref<128x144xf32, #tpu.memory_space<vmem_shared>>
      %dma_wait3A_70 = arith.constant 0 : i32
      %dma_wait3A_71 = tpu.memref_slice %arg11[%add3A_9, %dma_wait3A_70] : memref<10112x144xf32, #tpu.memory_space<vmem_shared>> -> memref<128x144xf32, #tpu.memory_space<vmem_shared>>
      %dma_wait3A_72 = arith.constant 0 : i32
      %dma_wait3A_73 = arith.constant 0 : i32
      %dma_wait3A_74 = tpu.memref_slice %arg10[%dma_wait3A_72, %dma_wait3A_73] : memref<256x144xf32, #tpu.memory_space<vmem>> -> memref<128x144xf32, #tpu.memory_space<vmem>>
      tpu.wait_dma2 semaphore(%run_scoped3A : memref<!tpu.dma_semaphore, #tpu.memory_space<semaphore_mem>>) src(%dma_wait3A_74 : memref<128x144xf32, #tpu.memory_space<vmem>>) dst(%dma_wait3A_71 : memref<128x144xf32, #tpu.memory_space<vmem_shared>>)
      tpu.yield
    }) : () -> ()
    %add3A_10 = arith.constant 128 : i32
    %add3A_11 = arith.addi %multiple_of3A, %add3A_10 : i32
    "tpu.region"() ({
      %run_scoped3A = tpu.sem_alloc : memref<!tpu.dma_semaphore, #tpu.memory_space<semaphore_mem>>
      %dma_start3A_56 = arith.constant 0 : i32
      %dma_start3A_57 = arith.constant 0 : i32
      %dma_start3A_58 = tpu.memref_slice %arg10[%dma_start3A_56, %dma_start3A_57] : memref<256x144xf32, #tpu.memory_space<vmem>> -> memref<128x144xf32, #tpu.memory_space<vmem>>
      %dma_start3A_59 = arith.constant 0 : i32
      %dma_start3A_60 = tpu.memref_slice %arg11[%add3A_11, %dma_start3A_59] : memref<10112x144xf32, #tpu.memory_space<vmem_shared>> -> memref<128x144xf32, #tpu.memory_space<vmem_shared>>
      %dma_start3A_61 = arith.constant 0 : i32
      %dma_start3A_62 = tpu.memref_slice %arg11[%add3A_11, %dma_start3A_61] : memref<10112x144xf32, #tpu.memory_space<vmem_shared>> -> memref<128x144xf32, #tpu.memory_space<vmem_shared>>
      %dma_start3A_63 = arith.constant 0 : i32
      %dma_start3A_64 = arith.constant 0 : i32
      %dma_start3A_65 = tpu.memref_slice %arg10[%dma_start3A_63, %dma_start3A_64] : memref<256x144xf32, #tpu.memory_space<vmem>> -> memref<128x144xf32, #tpu.memory_space<vmem>>
      tpu.enqueue_dma source(%dma_start3A_65 : memref<128x144xf32, #tpu.memory_space<vmem>>) target(%dma_start3A_62 : memref<128x144xf32, #tpu.memory_space<vmem_shared>>) target_semaphore(%run_scoped3A : memref<!tpu.dma_semaphore, #tpu.memory_space<semaphore_mem>>)
      %dma_wait3A = arith.constant 0 : i32
      %dma_wait3A_66 = arith.constant 0 : i32
      %dma_wait3A_67 = tpu.memref_slice %arg10[%dma_wait3A, %dma_wait3A_66] : memref<256x144xf32, #tpu.memory_space<vmem>> -> memref<128x144xf32, #tpu.memory_space<vmem>>
      %dma_wait3A_68 = arith.constant 0 : i32
      %dma_wait3A_69 = tpu.memref_slice %arg11[%add3A_11, %dma_wait3A_68] : memref<10112x144xf32, #tpu.memory_space<vmem_shared>> -> memref<128x144xf32, #tpu.memory_space<vmem_shared>>
      %dma_wait3A_70 = arith.constant 0 : i32
      %dma_wait3A_71 = tpu.memref_slice %arg11[%add3A_11, %dma_wait3A_70] : memref<10112x144xf32, #tpu.memory_space<vmem_shared>> -> memref<128x144xf32, #tpu.memory_space<vmem_shared>>
      %dma_wait3A_72 = arith.constant 0 : i32
      %dma_wait3A_73 = arith.constant 0 : i32
      %dma_wait3A_74 = tpu.memref_slice %arg10[%dma_wait3A_72, %dma_wait3A_73] : memref<256x144xf32, #tpu.memory_space<vmem>> -> memref<128x144xf32, #tpu.memory_space<vmem>>
      tpu.wait_dma2 semaphore(%run_scoped3A : memref<!tpu.dma_semaphore, #tpu.memory_space<semaphore_mem>>) src(%dma_wait3A_74 : memref<128x144xf32, #tpu.memory_space<vmem>>) dst(%dma_wait3A_71 : memref<128x144xf32, #tpu.memory_space<vmem_shared>>)
      tpu.yield
    }) : () -> ()
    %add3A_12 = arith.constant 256 : i32
    %add3A_13 = arith.addi %multiple_of3A, %add3A_12 : i32
    "tpu.region"() ({
      %run_scoped3A = tpu.sem_alloc : memref<!tpu.dma_semaphore, #tpu.memory_space<semaphore_mem>>
      %dma_start3A_56 = arith.constant 0 : i32
      %dma_start3A_57 = arith.constant 0 : i32
      %dma_start3A_58 = tpu.memref_slice %arg10[%dma_start3A_56, %dma_start3A_57] : memref<256x144xf32, #tpu.memory_space<vmem>> -> memref<128x144xf32, #tpu.memory_space<vmem>>
      %dma_start3A_59 = arith.constant 0 : i32
      %dma_start3A_60 = tpu.memref_slice %arg11[%add3A_13, %dma_start3A_59] : memref<10112x144xf32, #tpu.memory_space<vmem_shared>> -> memref<128x144xf32, #tpu.memory_space<vmem_shared>>
      %dma_start3A_61 = arith.constant 0 : i32
      %dma_start3A_62 = tpu.memref_slice %arg11[%add3A_13, %dma_start3A_61] : memref<10112x144xf32, #tpu.memory_space<vmem_shared>> -> memref<128x144xf32, #tpu.memory_space<vmem_shared>>
      %dma_start3A_63 = arith.constant 0 : i32
      %dma_start3A_64 = arith.constant 0 : i32
      %dma_start3A_65 = tpu.memref_slice %arg10[%dma_start3A_63, %dma_start3A_64] : memref<256x144xf32, #tpu.memory_space<vmem>> -> memref<128x144xf32, #tpu.memory_space<vmem>>
      tpu.enqueue_dma source(%dma_start3A_65 : memref<128x144xf32, #tpu.memory_space<vmem>>) target(%dma_start3A_62 : memref<128x144xf32, #tpu.memory_space<vmem_shared>>) target_semaphore(%run_scoped3A : memref<!tpu.dma_semaphore, #tpu.memory_space<semaphore_mem>>)
      %dma_wait3A = arith.constant 0 : i32
      %dma_wait3A_66 = arith.constant 0 : i32
      %dma_wait3A_67 = tpu.memref_slice %arg10[%dma_wait3A, %dma_wait3A_66] : memref<256x144xf32, #tpu.memory_space<vmem>> -> memref<128x144xf32, #tpu.memory_space<vmem>>
      %dma_wait3A_68 = arith.constant 0 : i32
      %dma_wait3A_69 = tpu.memref_slice %arg11[%add3A_13, %dma_wait3A_68] : memref<10112x144xf32, #tpu.memory_space<vmem_shared>> -> memref<128x144xf32, #tpu.memory_space<vmem_shared>>
      %dma_wait3A_70 = arith.constant 0 : i32
      %dma_wait3A_71 = tpu.memref_slice %arg11[%add3A_13, %dma_wait3A_70] : memref<10112x144xf32, #tpu.memory_space<vmem_shared>> -> memref<128x144xf32, #tpu.memory_space<vmem_shared>>
      %dma_wait3A_72 = arith.constant 0 : i32
      %dma_wait3A_73 = arith.constant 0 : i32
      %dma_wait3A_74 = tpu.memref_slice %arg10[%dma_wait3A_72, %dma_wait3A_73] : memref<256x144xf32, #tpu.memory_space<vmem>> -> memref<128x144xf32, #tpu.memory_space<vmem>>
      tpu.wait_dma2 semaphore(%run_scoped3A : memref<!tpu.dma_semaphore, #tpu.memory_space<semaphore_mem>>) src(%dma_wait3A_74 : memref<128x144xf32, #tpu.memory_space<vmem>>) dst(%dma_wait3A_71 : memref<128x144xf32, #tpu.memory_space<vmem_shared>>)
      tpu.yield
    }) : () -> ()
    %add3A_14 = arith.constant 384 : i32
    %add3A_15 = arith.addi %multiple_of3A, %add3A_14 : i32
    "tpu.region"() ({
      %run_scoped3A = tpu.sem_alloc : memref<!tpu.dma_semaphore, #tpu.memory_space<semaphore_mem>>
      %dma_start3A_56 = arith.constant 0 : i32
      %dma_start3A_57 = arith.constant 0 : i32
      %dma_start3A_58 = tpu.memref_slice %arg10[%dma_start3A_56, %dma_start3A_57] : memref<256x144xf32, #tpu.memory_space<vmem>> -> memref<128x144xf32, #tpu.memory_space<vmem>>
      %dma_start3A_59 = arith.constant 0 : i32
      %dma_start3A_60 = tpu.memref_slice %arg11[%add3A_15, %dma_start3A_59] : memref<10112x144xf32, #tpu.memory_space<vmem_shared>> -> memref<128x144xf32, #tpu.memory_space<vmem_shared>>
      %dma_start3A_61 = arith.constant 0 : i32
      %dma_start3A_62 = tpu.memref_slice %arg11[%add3A_15, %dma_start3A_61] : memref<10112x144xf32, #tpu.memory_space<vmem_shared>> -> memref<128x144xf32, #tpu.memory_space<vmem_shared>>
      %dma_start3A_63 = arith.constant 0 : i32
      %dma_start3A_64 = arith.constant 0 : i32
      %dma_start3A_65 = tpu.memref_slice %arg10[%dma_start3A_63, %dma_start3A_64] : memref<256x144xf32, #tpu.memory_space<vmem>> -> memref<128x144xf32, #tpu.memory_space<vmem>>
      tpu.enqueue_dma source(%dma_start3A_65 : memref<128x144xf32, #tpu.memory_space<vmem>>) target(%dma_start3A_62 : memref<128x144xf32, #tpu.memory_space<vmem_shared>>) target_semaphore(%run_scoped3A : memref<!tpu.dma_semaphore, #tpu.memory_space<semaphore_mem>>)
      %dma_wait3A = arith.constant 0 : i32
      %dma_wait3A_66 = arith.constant 0 : i32
      %dma_wait3A_67 = tpu.memref_slice %arg10[%dma_wait3A, %dma_wait3A_66] : memref<256x144xf32, #tpu.memory_space<vmem>> -> memref<128x144xf32, #tpu.memory_space<vmem>>
      %dma_wait3A_68 = arith.constant 0 : i32
      %dma_wait3A_69 = tpu.memref_slice %arg11[%add3A_15, %dma_wait3A_68] : memref<10112x144xf32, #tpu.memory_space<vmem_shared>> -> memref<128x144xf32, #tpu.memory_space<vmem_shared>>
      %dma_wait3A_70 = arith.constant 0 : i32
      %dma_wait3A_71 = tpu.memref_slice %arg11[%add3A_15, %dma_wait3A_70] : memref<10112x144xf32, #tpu.memory_space<vmem_shared>> -> memref<128x144xf32, #tpu.memory_space<vmem_shared>>
      %dma_wait3A_72 = arith.constant 0 : i32
      %dma_wait3A_73 = arith.constant 0 : i32
      %dma_wait3A_74 = tpu.memref_slice %arg10[%dma_wait3A_72, %dma_wait3A_73] : memref<256x144xf32, #tpu.memory_space<vmem>> -> memref<128x144xf32, #tpu.memory_space<vmem>>
      tpu.wait_dma2 semaphore(%run_scoped3A : memref<!tpu.dma_semaphore, #tpu.memory_space<semaphore_mem>>) src(%dma_wait3A_74 : memref<128x144xf32, #tpu.memory_space<vmem>>) dst(%dma_wait3A_71 : memref<128x144xf32, #tpu.memory_space<vmem_shared>>)
      tpu.yield
    }) : () -> ()
    %add3A_16 = arith.constant 512 : i32
    %add3A_17 = arith.addi %multiple_of3A, %add3A_16 : i32
    "tpu.region"() ({
      %run_scoped3A = tpu.sem_alloc : memref<!tpu.dma_semaphore, #tpu.memory_space<semaphore_mem>>
      %dma_start3A_56 = arith.constant 0 : i32
      %dma_start3A_57 = arith.constant 0 : i32
      %dma_start3A_58 = tpu.memref_slice %arg10[%dma_start3A_56, %dma_start3A_57] : memref<256x144xf32, #tpu.memory_space<vmem>> -> memref<120x144xf32, #tpu.memory_space<vmem>>
      %dma_start3A_59 = arith.constant 0 : i32
      %dma_start3A_60 = tpu.memref_slice %arg11[%add3A_17, %dma_start3A_59] : memref<10112x144xf32, #tpu.memory_space<vmem_shared>> -> memref<120x144xf32, #tpu.memory_space<vmem_shared>>
      %dma_start3A_61 = arith.constant 0 : i32
      %dma_start3A_62 = tpu.memref_slice %arg11[%add3A_17, %dma_start3A_61] : memref<10112x144xf32, #tpu.memory_space<vmem_shared>> -> memref<120x144xf32, #tpu.memory_space<vmem_shared>>
      %dma_start3A_63 = arith.constant 0 : i32
      %dma_start3A_64 = arith.constant 0 : i32
      %dma_start3A_65 = tpu.memref_slice %arg10[%dma_start3A_63, %dma_start3A_64] : memref<256x144xf32, #tpu.memory_space<vmem>> -> memref<120x144xf32, #tpu.memory_space<vmem>>
      tpu.enqueue_dma source(%dma_start3A_65 : memref<120x144xf32, #tpu.memory_space<vmem>>) target(%dma_start3A_62 : memref<120x144xf32, #tpu.memory_space<vmem_shared>>) target_semaphore(%run_scoped3A : memref<!tpu.dma_semaphore, #tpu.memory_space<semaphore_mem>>)
      %dma_wait3A = arith.constant 0 : i32
      %dma_wait3A_66 = arith.constant 0 : i32
      %dma_wait3A_67 = tpu.memref_slice %arg10[%dma_wait3A, %dma_wait3A_66] : memref<256x144xf32, #tpu.memory_space<vmem>> -> memref<120x144xf32, #tpu.memory_space<vmem>>
      %dma_wait3A_68 = arith.constant 0 : i32
      %dma_wait3A_69 = tpu.memref_slice %arg11[%add3A_17, %dma_wait3A_68] : memref<10112x144xf32, #tpu.memory_space<vmem_shared>> -> memref<120x144xf32, #tpu.memory_space<vmem_shared>>
      %dma_wait3A_70 = arith.constant 0 : i32
      %dma_wait3A_71 = tpu.memref_slice %arg11[%add3A_17, %dma_wait3A_70] : memref<10112x144xf32, #tpu.memory_space<vmem_shared>> -> memref<120x144xf32, #tpu.memory_space<vmem_shared>>
      %dma_wait3A_72 = arith.constant 0 : i32
      %dma_wait3A_73 = arith.constant 0 : i32
      %dma_wait3A_74 = tpu.memref_slice %arg10[%dma_wait3A_72, %dma_wait3A_73] : memref<256x144xf32, #tpu.memory_space<vmem>> -> memref<120x144xf32, #tpu.memory_space<vmem>>
      tpu.wait_dma2 semaphore(%run_scoped3A : memref<!tpu.dma_semaphore, #tpu.memory_space<semaphore_mem>>) src(%dma_wait3A_74 : memref<120x144xf32, #tpu.memory_space<vmem>>) dst(%dma_wait3A_71 : memref<120x144xf32, #tpu.memory_space<vmem_shared>>)
      tpu.yield
    }) : () -> ()
    %barrier3A = arith.constant 0 : index
    tpu.barrier barrier_id(%barrier3A)
    %dma_start3A = arith.constant 0 : i32
    %dma_start3A_18 = arith.constant 0 : i32
    %dma_start3A_19 = tpu.memref_slice %arg3[%add3A, %dma_start3A, %dma_start3A_18] : memref<32x40x256xi32, #tpu.memory_space<hbm>> -> memref<1x1x256xi32, #tpu.memory_space<hbm>>
    %dma_start3A_20 = tpu.memref_squeeze %dma_start3A_19 : memref<1x1x256xi32, #tpu.memory_space<hbm>> -> memref<256xi32, #tpu.memory_space<hbm>>
    %dma_start3A_21 = arith.constant 0 : i32
    %dma_start3A_22 = tpu.memref_slice %arg3[%add3A, %dma_start3A, %dma_start3A_21] : memref<32x40x256xi32, #tpu.memory_space<hbm>> -> memref<1x1x256xi32, #tpu.memory_space<hbm>>
    %dma_start3A_23 = tpu.memref_squeeze %dma_start3A_22 : memref<1x1x256xi32, #tpu.memory_space<hbm>> -> memref<256xi32, #tpu.memory_space<hbm>>
    tpu.enqueue_dma source(%dma_start3A_23 : memref<256xi32, #tpu.memory_space<hbm>>) target(%arg6 : memref<256xi32, #tpu.memory_space<vmem>>) target_semaphore(%arg13 : memref<!tpu.dma_semaphore, #tpu.memory_space<semaphore_mem>>)
    %dma_start3A_24 = arith.constant 0 : i32
    %dma_start3A_25 = arith.constant 0 : i32
    %dma_start3A_26 = arith.constant 0 : i32
    %dma_start3A_27 = tpu.memref_slice %arg4[%add3A, %dma_start3A_24, %dma_start3A_25, %dma_start3A_26] : memref<32x40x2x128xi32, #tpu.memory_space<hbm>> -> memref<1x1x2x128xi32, #tpu.memory_space<hbm>>
    %dma_start3A_28 = tpu.memref_squeeze %dma_start3A_27 : memref<1x1x2x128xi32, #tpu.memory_space<hbm>> -> memref<2x128xi32, #tpu.memory_space<hbm>>
    %dma_start3A_29 = arith.constant 0 : i32
    %dma_start3A_30 = arith.constant 0 : i32
    %dma_start3A_31 = tpu.memref_slice %arg4[%add3A, %dma_start3A_24, %dma_start3A_29, %dma_start3A_30] : memref<32x40x2x128xi32, #tpu.memory_space<hbm>> -> memref<1x1x2x128xi32, #tpu.memory_space<hbm>>
    %dma_start3A_32 = tpu.memref_squeeze %dma_start3A_31 : memref<1x1x2x128xi32, #tpu.memory_space<hbm>> -> memref<2x128xi32, #tpu.memory_space<hbm>>
    tpu.enqueue_dma source(%dma_start3A_32 : memref<2x128xi32, #tpu.memory_space<hbm>>) target(%arg8 : memref<2x128xi32, #tpu.memory_space<vmem>>) target_semaphore(%arg15 : memref<!tpu.dma_semaphore, #tpu.memory_space<semaphore_mem>>)
    %dma_start3A_33 = arith.constant 1 : i32
    %dma_start3A_34 = arith.constant 0 : i32
    %dma_start3A_35 = tpu.memref_slice %arg3[%add3A, %dma_start3A_33, %dma_start3A_34] : memref<32x40x256xi32, #tpu.memory_space<hbm>> -> memref<1x1x256xi32, #tpu.memory_space<hbm>>
    %dma_start3A_36 = tpu.memref_squeeze %dma_start3A_35 : memref<1x1x256xi32, #tpu.memory_space<hbm>> -> memref<256xi32, #tpu.memory_space<hbm>>
    %dma_start3A_37 = arith.constant 0 : i32
    %dma_start3A_38 = tpu.memref_slice %arg3[%add3A, %dma_start3A_33, %dma_start3A_37] : memref<32x40x256xi32, #tpu.memory_space<hbm>> -> memref<1x1x256xi32, #tpu.memory_space<hbm>>
    %dma_start3A_39 = tpu.memref_squeeze %dma_start3A_38 : memref<1x1x256xi32, #tpu.memory_space<hbm>> -> memref<256xi32, #tpu.memory_space<hbm>>
    tpu.enqueue_dma source(%dma_start3A_39 : memref<256xi32, #tpu.memory_space<hbm>>) target(%arg7 : memref<256xi32, #tpu.memory_space<vmem>>) target_semaphore(%arg14 : memref<!tpu.dma_semaphore, #tpu.memory_space<semaphore_mem>>)
    %dma_start3A_40 = arith.constant 1 : i32
    %dma_start3A_41 = arith.constant 0 : i32
    %dma_start3A_42 = arith.constant 0 : i32
    %dma_start3A_43 = tpu.memref_slice %arg4[%add3A, %dma_start3A_40, %dma_start3A_41, %dma_start3A_42] : memref<32x40x2x128xi32, #tpu.memory_space<hbm>> -> memref<1x1x2x128xi32, #tpu.memory_space<hbm>>
    %dma_start3A_44 = tpu.memref_squeeze %dma_start3A_43 : memref<1x1x2x128xi32, #tpu.memory_space<hbm>> -> memref<2x128xi32, #tpu.memory_space<hbm>>
    %dma_start3A_45 = arith.constant 0 : i32
    %dma_start3A_46 = arith.constant 0 : i32
    %dma_start3A_47 = tpu.memref_slice %arg4[%add3A, %dma_start3A_40, %dma_start3A_45, %dma_start3A_46] : memref<32x40x2x128xi32, #tpu.memory_space<hbm>> -> memref<1x1x2x128xi32, #tpu.memory_space<hbm>>
    %dma_start3A_48 = tpu.memref_squeeze %dma_start3A_47 : memref<1x1x2x128xi32, #tpu.memory_space<hbm>> -> memref<2x128xi32, #tpu.memory_space<hbm>>
    tpu.enqueue_dma source(%dma_start3A_48 : memref<2x128xi32, #tpu.memory_space<hbm>>) target(%arg9 : memref<2x128xi32, #tpu.memory_space<vmem>>) target_semaphore(%arg16 : memref<!tpu.dma_semaphore, #tpu.memory_space<semaphore_mem>>)
    %scan3A_49 = arith.constant 0 : i32
    %scan3A_50 = arith.constant 0 : i32
    %scan3A_51 = arith.constant 20 : i32
    %scan3A_52 = arith.addi %scan3A_50, %scan3A_51 : i32
    %scan3A_53 = arith.constant 1 : i32
    scf.for %scan3A_56 = %scan3A_50 to %scan3A_52 step %scan3A_53  : i32 {
      %mul3A_57 = arith.constant 2 : i32
      %mul3A_58 = arith.muli %scan3A_56, %mul3A_57 : i32
      %add3A_59 = arith.constant 2 : i32
      %add3A_60 = arith.addi %mul3A_58, %add3A_59 : i32
      %lt3A = arith.constant 40 : i32
      %lt3A_61 = arith.cmpi slt, %add3A_60, %lt3A : i32
      %dma_wait3A = arith.constant 0 : i32
      %dma_wait3A_62 = tpu.memref_slice %arg3[%add3A, %mul3A_58, %dma_wait3A] : memref<32x40x256xi32, #tpu.memory_space<hbm>> -> memref<1x1x256xi32, #tpu.memory_space<hbm>>
      %dma_wait3A_63 = tpu.memref_squeeze %dma_wait3A_62 : memref<1x1x256xi32, #tpu.memory_space<hbm>> -> memref<256xi32, #tpu.memory_space<hbm>>
      %dma_wait3A_64 = arith.constant 0 : i32
      %dma_wait3A_65 = tpu.memref_slice %arg3[%add3A, %mul3A_58, %dma_wait3A_64] : memref<32x40x256xi32, #tpu.memory_space<hbm>> -> memref<1x1x256xi32, #tpu.memory_space<hbm>>
      %dma_wait3A_66 = tpu.memref_squeeze %dma_wait3A_65 : memref<1x1x256xi32, #tpu.memory_space<hbm>> -> memref<256xi32, #tpu.memory_space<hbm>>
      tpu.wait_dma2 semaphore(%arg13 : memref<!tpu.dma_semaphore, #tpu.memory_space<semaphore_mem>>) src(%dma_wait3A_66 : memref<256xi32, #tpu.memory_space<hbm>>) dst(%arg6 : memref<256xi32, #tpu.memory_space<vmem>>)
      %dma_start3A_67 = arith.constant 0 : i32
      %dma_start3A_68 = arith.constant 0 : i32
      %dma_start3A_69 = tpu.memref_slice %arg2[%dma_start3A_67, %dma_start3A_68] : memref<10000x144xf32, #tpu.memory_space<hbm>> -> memref<10000x144xf32, #tpu.memory_space<hbm>>
      tpu.enqueue_indirect_dma source(%dma_start3A_69 : memref<10000x144xf32, #tpu.memory_space<hbm>>) target(%arg10 : memref<256x144xf32, #tpu.memory_space<vmem>>) offsets(%arg6 : memref<256xi32, #tpu.memory_space<vmem>>) semaphore(%arg12 : memref<!tpu.dma_semaphore, #tpu.memory_space<semaphore_mem>>)
      %dma_wait3A_70 = arith.constant 0 : i32
      %dma_wait3A_71 = arith.constant 0 : i32
      %dma_wait3A_72 = tpu.memref_slice %arg2[%dma_wait3A_70, %dma_wait3A_71] : memref<10000x144xf32, #tpu.memory_space<hbm>> -> memref<10000x144xf32, #tpu.memory_space<hbm>>
      tpu.wait_indirect_dma semaphore(%arg12 : memref<!tpu.dma_semaphore, #tpu.memory_space<semaphore_mem>>) src(%dma_wait3A_72 : memref<10000x144xf32, #tpu.memory_space<hbm>>) dst(%arg10 : memref<256x144xf32, #tpu.memory_space<vmem>>)
      %convert_element_type3A = arith.extui %lt3A_61 : i1 to i32
      %cond3A = arith.constant 0 : i32
      %cond3A_73 = arith.cmpi ne, %convert_element_type3A, %cond3A : i32
      scf.if %cond3A_73 {
        %add3A_120 = arith.constant 2 : i32
        %add3A_121 = arith.addi %mul3A_58, %add3A_120 : i32
        %dma_start3A_122 = arith.constant 0 : i32
        %dma_start3A_123 = tpu.memref_slice %arg3[%add3A, %add3A_121, %dma_start3A_122] : memref<32x40x256xi32, #tpu.memory_space<hbm>> -> memref<1x1x256xi32, #tpu.memory_space<hbm>>
        %dma_start3A_124 = tpu.memref_squeeze %dma_start3A_123 : memref<1x1x256xi32, #tpu.memory_space<hbm>> -> memref<256xi32, #tpu.memory_space<hbm>>
        %dma_start3A_125 = arith.constant 0 : i32
        %dma_start3A_126 = tpu.memref_slice %arg3[%add3A, %add3A_121, %dma_start3A_125] : memref<32x40x256xi32, #tpu.memory_space<hbm>> -> memref<1x1x256xi32, #tpu.memory_space<hbm>>
        %dma_start3A_127 = tpu.memref_squeeze %dma_start3A_126 : memref<1x1x256xi32, #tpu.memory_space<hbm>> -> memref<256xi32, #tpu.memory_space<hbm>>
        tpu.enqueue_dma source(%dma_start3A_127 : memref<256xi32, #tpu.memory_space<hbm>>) target(%arg6 : memref<256xi32, #tpu.memory_space<vmem>>) target_semaphore(%arg13 : memref<!tpu.dma_semaphore, #tpu.memory_space<semaphore_mem>>)
      } else {
      }
      %dma_wait3A_74 = arith.constant 0 : i32
      %dma_wait3A_75 = arith.constant 0 : i32
      %dma_wait3A_76 = tpu.memref_slice %arg4[%add3A, %mul3A_58, %dma_wait3A_74, %dma_wait3A_75] : memref<32x40x2x128xi32, #tpu.memory_space<hbm>> -> memref<1x1x2x128xi32, #tpu.memory_space<hbm>>
      %dma_wait3A_77 = tpu.memref_squeeze %dma_wait3A_76 : memref<1x1x2x128xi32, #tpu.memory_space<hbm>> -> memref<2x128xi32, #tpu.memory_space<hbm>>
      %dma_wait3A_78 = arith.constant 0 : i32
      %dma_wait3A_79 = arith.constant 0 : i32
      %dma_wait3A_80 = tpu.memref_slice %arg4[%add3A, %mul3A_58, %dma_wait3A_78, %dma_wait3A_79] : memref<32x40x2x128xi32, #tpu.memory_space<hbm>> -> memref<1x1x2x128xi32, #tpu.memory_space<hbm>>
      %dma_wait3A_81 = tpu.memref_squeeze %dma_wait3A_80 : memref<1x1x2x128xi32, #tpu.memory_space<hbm>> -> memref<2x128xi32, #tpu.memory_space<hbm>>
      tpu.wait_dma2 semaphore(%arg15 : memref<!tpu.dma_semaphore, #tpu.memory_space<semaphore_mem>>) src(%dma_wait3A_81 : memref<2x128xi32, #tpu.memory_space<hbm>>) dst(%arg8 : memref<2x128xi32, #tpu.memory_space<vmem>>)
      %run_scoped3A = arith.constant 0 : i32
      "tpu.region"() ({
        %run_scoped3A_120 = tpu.sem_alloc : memref<!tpu.dma_semaphore, #tpu.memory_space<semaphore_mem>>
        %dma_start3A_121 = arith.constant 0 : i32
        %dma_start3A_122 = arith.constant 0 : i32
        %dma_start3A_123 = tpu.memref_slice %arg10[%dma_start3A_121, %dma_start3A_122] : memref<256x144xf32, #tpu.memory_space<vmem>> -> memref<128x144xf32, #tpu.memory_space<vmem>>
        %dma_start3A_124 = arith.constant 0 : i32
        %dma_start3A_125 = tpu.memref_slice %arg8[%run_scoped3A, %dma_start3A_124] : memref<2x128xi32, #tpu.memory_space<vmem>> -> memref<1x128xi32, #tpu.memory_space<vmem>>
        %dma_start3A_126 = tpu.memref_squeeze %dma_start3A_125 : memref<1x128xi32, #tpu.memory_space<vmem>> -> memref<128xi32, #tpu.memory_space<vmem>>
        %dma_start3A_127 = arith.constant 0 : i32
        %dma_start3A_128 = arith.constant 0 : i32
        %dma_start3A_129 = tpu.memref_slice %arg11[%dma_start3A_127, %dma_start3A_128] : memref<10112x144xf32, #tpu.memory_space<vmem_shared>> -> memref<10112x144xf32, #tpu.memory_space<vmem_shared>>
        tpu.enqueue_indirect_dma source(%dma_start3A_123 : memref<128x144xf32, #tpu.memory_space<vmem>>) target(%dma_start3A_129 : memref<10112x144xf32, #tpu.memory_space<vmem_shared>>) offsets(%dma_start3A_126 : memref<128xi32, #tpu.memory_space<vmem>>) semaphore(%run_scoped3A_120 : memref<!tpu.dma_semaphore, #tpu.memory_space<semaphore_mem>>) {add = true}
        %dma_wait3A_130 = arith.constant 0 : i32
        %dma_wait3A_131 = arith.constant 0 : i32
        %dma_wait3A_132 = tpu.memref_slice %arg10[%dma_wait3A_130, %dma_wait3A_131] : memref<256x144xf32, #tpu.memory_space<vmem>> -> memref<128x144xf32, #tpu.memory_space<vmem>>
        %dma_wait3A_133 = arith.constant 0 : i32
        %dma_wait3A_134 = tpu.memref_slice %arg8[%run_scoped3A, %dma_wait3A_133] : memref<2x128xi32, #tpu.memory_space<vmem>> -> memref<1x128xi32, #tpu.memory_space<vmem>>
        %dma_wait3A_135 = tpu.memref_squeeze %dma_wait3A_134 : memref<1x128xi32, #tpu.memory_space<vmem>> -> memref<128xi32, #tpu.memory_space<vmem>>
        %dma_wait3A_136 = arith.constant 0 : i32
        %dma_wait3A_137 = arith.constant 0 : i32
        %dma_wait3A_138 = tpu.memref_slice %arg11[%dma_wait3A_136, %dma_wait3A_137] : memref<10112x144xf32, #tpu.memory_space<vmem_shared>> -> memref<10112x144xf32, #tpu.memory_space<vmem_shared>>
        tpu.wait_indirect_dma semaphore(%run_scoped3A_120 : memref<!tpu.dma_semaphore, #tpu.memory_space<semaphore_mem>>) src(%dma_wait3A_132 : memref<128x144xf32, #tpu.memory_space<vmem>>) dst(%dma_wait3A_138 : memref<10112x144xf32, #tpu.memory_space<vmem_shared>>)
        tpu.yield
      }) : () -> ()
      %run_scoped3A_82 = arith.constant 1 : i32
      "tpu.region"() ({
        %run_scoped3A_120 = tpu.sem_alloc : memref<!tpu.dma_semaphore, #tpu.memory_space<semaphore_mem>>
        %dma_start3A_121 = arith.constant 128 : i32
        %dma_start3A_122 = arith.constant 0 : i32
        %dma_start3A_123 = tpu.memref_slice %arg10[%dma_start3A_121, %dma_start3A_122] : memref<256x144xf32, #tpu.memory_space<vmem>> -> memref<128x144xf32, #tpu.memory_space<vmem>>
        %dma_start3A_124 = arith.constant 0 : i32
        %dma_start3A_125 = tpu.memref_slice %arg8[%run_scoped3A_82, %dma_start3A_124] : memref<2x128xi32, #tpu.memory_space<vmem>> -> memref<1x128xi32, #tpu.memory_space<vmem>>
        %dma_start3A_126 = tpu.memref_squeeze %dma_start3A_125 : memref<1x128xi32, #tpu.memory_space<vmem>> -> memref<128xi32, #tpu.memory_space<vmem>>
        %dma_start3A_127 = arith.constant 0 : i32
        %dma_start3A_128 = arith.constant 0 : i32
        %dma_start3A_129 = tpu.memref_slice %arg11[%dma_start3A_127, %dma_start3A_128] : memref<10112x144xf32, #tpu.memory_space<vmem_shared>> -> memref<10112x144xf32, #tpu.memory_space<vmem_shared>>
        tpu.enqueue_indirect_dma source(%dma_start3A_123 : memref<128x144xf32, #tpu.memory_space<vmem>>) target(%dma_start3A_129 : memref<10112x144xf32, #tpu.memory_space<vmem_shared>>) offsets(%dma_start3A_126 : memref<128xi32, #tpu.memory_space<vmem>>) semaphore(%run_scoped3A_120 : memref<!tpu.dma_semaphore, #tpu.memory_space<semaphore_mem>>) {add = true}
        %dma_wait3A_130 = arith.constant 128 : i32
        %dma_wait3A_131 = arith.constant 0 : i32
        %dma_wait3A_132 = tpu.memref_slice %arg10[%dma_wait3A_130, %dma_wait3A_131] : memref<256x144xf32, #tpu.memory_space<vmem>> -> memref<128x144xf32, #tpu.memory_space<vmem>>
        %dma_wait3A_133 = arith.constant 0 : i32
        %dma_wait3A_134 = tpu.memref_slice %arg8[%run_scoped3A_82, %dma_wait3A_133] : memref<2x128xi32, #tpu.memory_space<vmem>> -> memref<1x128xi32, #tpu.memory_space<vmem>>
        %dma_wait3A_135 = tpu.memref_squeeze %dma_wait3A_134 : memref<1x128xi32, #tpu.memory_space<vmem>> -> memref<128xi32, #tpu.memory_space<vmem>>
        %dma_wait3A_136 = arith.constant 0 : i32
        %dma_wait3A_137 = arith.constant 0 : i32
        %dma_wait3A_138 = tpu.memref_slice %arg11[%dma_wait3A_136, %dma_wait3A_137] : memref<10112x144xf32, #tpu.memory_space<vmem_shared>> -> memref<10112x144xf32, #tpu.memory_space<vmem_shared>>
        tpu.wait_indirect_dma semaphore(%run_scoped3A_120 : memref<!tpu.dma_semaphore, #tpu.memory_space<semaphore_mem>>) src(%dma_wait3A_132 : memref<128x144xf32, #tpu.memory_space<vmem>>) dst(%dma_wait3A_138 : memref<10112x144xf32, #tpu.memory_space<vmem_shared>>)
        tpu.yield
      }) : () -> ()
      %convert_element_type3A_83 = arith.extui %lt3A_61 : i1 to i32
      %cond3A_84 = arith.constant 0 : i32
      %cond3A_85 = arith.cmpi ne, %convert_element_type3A_83, %cond3A_84 : i32
      scf.if %cond3A_85 {
        %add3A_120 = arith.constant 2 : i32
        %add3A_121 = arith.addi %mul3A_58, %add3A_120 : i32
        %dma_start3A_122 = arith.constant 0 : i32
        %dma_start3A_123 = arith.constant 0 : i32
        %dma_start3A_124 = tpu.memref_slice %arg4[%add3A, %add3A_121, %dma_start3A_122, %dma_start3A_123] : memref<32x40x2x128xi32, #tpu.memory_space<hbm>> -> memref<1x1x2x128xi32, #tpu.memory_space<hbm>>
        %dma_start3A_125 = tpu.memref_squeeze %dma_start3A_124 : memref<1x1x2x128xi32, #tpu.memory_space<hbm>> -> memref<2x128xi32, #tpu.memory_space<hbm>>
        %dma_start3A_126 = arith.constant 0 : i32
        %dma_start3A_127 = arith.constant 0 : i32
        %dma_start3A_128 = tpu.memref_slice %arg4[%add3A, %add3A_121, %dma_start3A_126, %dma_start3A_127] : memref<32x40x2x128xi32, #tpu.memory_space<hbm>> -> memref<1x1x2x128xi32, #tpu.memory_space<hbm>>
        %dma_start3A_129 = tpu.memref_squeeze %dma_start3A_128 : memref<1x1x2x128xi32, #tpu.memory_space<hbm>> -> memref<2x128xi32, #tpu.memory_space<hbm>>
        tpu.enqueue_dma source(%dma_start3A_129 : memref<2x128xi32, #tpu.memory_space<hbm>>) target(%arg8 : memref<2x128xi32, #tpu.memory_space<vmem>>) target_semaphore(%arg15 : memref<!tpu.dma_semaphore, #tpu.memory_space<semaphore_mem>>)
      } else {
      }
      %add3A_86 = arith.constant 1 : i32
      %add3A_87 = arith.addi %mul3A_58, %add3A_86 : i32
      %add3A_88 = arith.constant 2 : i32
      %add3A_89 = arith.addi %add3A_87, %add3A_88 : i32
      %lt3A_90 = arith.constant 40 : i32
      %lt3A_91 = arith.cmpi slt, %add3A_89, %lt3A_90 : i32
      %dma_wait3A_92 = arith.constant 0 : i32
      %dma_wait3A_93 = tpu.memref_slice %arg3[%add3A, %add3A_87, %dma_wait3A_92] : memref<32x40x256xi32, #tpu.memory_space<hbm>> -> memref<1x1x256xi32, #tpu.memory_space<hbm>>
      %dma_wait3A_94 = tpu.memref_squeeze %dma_wait3A_93 : memref<1x1x256xi32, #tpu.memory_space<hbm>> -> memref<256xi32, #tpu.memory_space<hbm>>
      %dma_wait3A_95 = arith.constant 0 : i32
      %dma_wait3A_96 = tpu.memref_slice %arg3[%add3A, %add3A_87, %dma_wait3A_95] : memref<32x40x256xi32, #tpu.memory_space<hbm>> -> memref<1x1x256xi32, #tpu.memory_space<hbm>>
      %dma_wait3A_97 = tpu.memref_squeeze %dma_wait3A_96 : memref<1x1x256xi32, #tpu.memory_space<hbm>> -> memref<256xi32, #tpu.memory_space<hbm>>
      tpu.wait_dma2 semaphore(%arg14 : memref<!tpu.dma_semaphore, #tpu.memory_space<semaphore_mem>>) src(%dma_wait3A_97 : memref<256xi32, #tpu.memory_space<hbm>>) dst(%arg7 : memref<256xi32, #tpu.memory_space<vmem>>)
      %dma_start3A_98 = arith.constant 0 : i32
      %dma_start3A_99 = arith.constant 0 : i32
      %dma_start3A_100 = tpu.memref_slice %arg2[%dma_start3A_98, %dma_start3A_99] : memref<10000x144xf32, #tpu.memory_space<hbm>> -> memref<10000x144xf32, #tpu.memory_space<hbm>>
      tpu.enqueue_indirect_dma source(%dma_start3A_100 : memref<10000x144xf32, #tpu.memory_space<hbm>>) target(%arg10 : memref<256x144xf32, #tpu.memory_space<vmem>>) offsets(%arg7 : memref<256xi32, #tpu.memory_space<vmem>>) semaphore(%arg12 : memref<!tpu.dma_semaphore, #tpu.memory_space<semaphore_mem>>)
      %dma_wait3A_101 = arith.constant 0 : i32
      %dma_wait3A_102 = arith.constant 0 : i32
      %dma_wait3A_103 = tpu.memref_slice %arg2[%dma_wait3A_101, %dma_wait3A_102] : memref<10000x144xf32, #tpu.memory_space<hbm>> -> memref<10000x144xf32, #tpu.memory_space<hbm>>
      tpu.wait_indirect_dma semaphore(%arg12 : memref<!tpu.dma_semaphore, #tpu.memory_space<semaphore_mem>>) src(%dma_wait3A_103 : memref<10000x144xf32, #tpu.memory_space<hbm>>) dst(%arg10 : memref<256x144xf32, #tpu.memory_space<vmem>>)
      %convert_element_type3A_104 = arith.extui %lt3A_91 : i1 to i32
      %cond3A_105 = arith.constant 0 : i32
      %cond3A_106 = arith.cmpi ne, %convert_element_type3A_104, %cond3A_105 : i32
      scf.if %cond3A_106 {
        %add3A_120 = arith.constant 2 : i32
        %add3A_121 = arith.addi %add3A_87, %add3A_120 : i32
        %dma_start3A_122 = arith.constant 0 : i32
        %dma_start3A_123 = tpu.memref_slice %arg3[%add3A, %add3A_121, %dma_start3A_122] : memref<32x40x256xi32, #tpu.memory_space<hbm>> -> memref<1x1x256xi32, #tpu.memory_space<hbm>>
        %dma_start3A_124 = tpu.memref_squeeze %dma_start3A_123 : memref<1x1x256xi32, #tpu.memory_space<hbm>> -> memref<256xi32, #tpu.memory_space<hbm>>
        %dma_start3A_125 = arith.constant 0 : i32
        %dma_start3A_126 = tpu.memref_slice %arg3[%add3A, %add3A_121, %dma_start3A_125] : memref<32x40x256xi32, #tpu.memory_space<hbm>> -> memref<1x1x256xi32, #tpu.memory_space<hbm>>
        %dma_start3A_127 = tpu.memref_squeeze %dma_start3A_126 : memref<1x1x256xi32, #tpu.memory_space<hbm>> -> memref<256xi32, #tpu.memory_space<hbm>>
        tpu.enqueue_dma source(%dma_start3A_127 : memref<256xi32, #tpu.memory_space<hbm>>) target(%arg7 : memref<256xi32, #tpu.memory_space<vmem>>) target_semaphore(%arg14 : memref<!tpu.dma_semaphore, #tpu.memory_space<semaphore_mem>>)
      } else {
      }
      %dma_wait3A_107 = arith.constant 0 : i32
      %dma_wait3A_108 = arith.constant 0 : i32
      %dma_wait3A_109 = tpu.memref_slice %arg4[%add3A, %add3A_87, %dma_wait3A_107, %dma_wait3A_108] : memref<32x40x2x128xi32, #tpu.memory_space<hbm>> -> memref<1x1x2x128xi32, #tpu.memory_space<hbm>>
      %dma_wait3A_110 = tpu.memref_squeeze %dma_wait3A_109 : memref<1x1x2x128xi32, #tpu.memory_space<hbm>> -> memref<2x128xi32, #tpu.memory_space<hbm>>
      %dma_wait3A_111 = arith.constant 0 : i32
      %dma_wait3A_112 = arith.constant 0 : i32
      %dma_wait3A_113 = tpu.memref_slice %arg4[%add3A, %add3A_87, %dma_wait3A_111, %dma_wait3A_112] : memref<32x40x2x128xi32, #tpu.memory_space<hbm>> -> memref<1x1x2x128xi32, #tpu.memory_space<hbm>>
      %dma_wait3A_114 = tpu.memref_squeeze %dma_wait3A_113 : memref<1x1x2x128xi32, #tpu.memory_space<hbm>> -> memref<2x128xi32, #tpu.memory_space<hbm>>
      tpu.wait_dma2 semaphore(%arg16 : memref<!tpu.dma_semaphore, #tpu.memory_space<semaphore_mem>>) src(%dma_wait3A_114 : memref<2x128xi32, #tpu.memory_space<hbm>>) dst(%arg9 : memref<2x128xi32, #tpu.memory_space<vmem>>)
      %run_scoped3A_115 = arith.constant 0 : i32
      "tpu.region"() ({
        %run_scoped3A_120 = tpu.sem_alloc : memref<!tpu.dma_semaphore, #tpu.memory_space<semaphore_mem>>
        %dma_start3A_121 = arith.constant 0 : i32
        %dma_start3A_122 = arith.constant 0 : i32
        %dma_start3A_123 = tpu.memref_slice %arg10[%dma_start3A_121, %dma_start3A_122] : memref<256x144xf32, #tpu.memory_space<vmem>> -> memref<128x144xf32, #tpu.memory_space<vmem>>
        %dma_start3A_124 = arith.constant 0 : i32
        %dma_start3A_125 = tpu.memref_slice %arg9[%run_scoped3A_115, %dma_start3A_124] : memref<2x128xi32, #tpu.memory_space<vmem>> -> memref<1x128xi32, #tpu.memory_space<vmem>>
        %dma_start3A_126 = tpu.memref_squeeze %dma_start3A_125 : memref<1x128xi32, #tpu.memory_space<vmem>> -> memref<128xi32, #tpu.memory_space<vmem>>
        %dma_start3A_127 = arith.constant 0 : i32
        %dma_start3A_128 = arith.constant 0 : i32
        %dma_start3A_129 = tpu.memref_slice %arg11[%dma_start3A_127, %dma_start3A_128] : memref<10112x144xf32, #tpu.memory_space<vmem_shared>> -> memref<10112x144xf32, #tpu.memory_space<vmem_shared>>
        tpu.enqueue_indirect_dma source(%dma_start3A_123 : memref<128x144xf32, #tpu.memory_space<vmem>>) target(%dma_start3A_129 : memref<10112x144xf32, #tpu.memory_space<vmem_shared>>) offsets(%dma_start3A_126 : memref<128xi32, #tpu.memory_space<vmem>>) semaphore(%run_scoped3A_120 : memref<!tpu.dma_semaphore, #tpu.memory_space<semaphore_mem>>) {add = true}
        %dma_wait3A_130 = arith.constant 0 : i32
        %dma_wait3A_131 = arith.constant 0 : i32
        %dma_wait3A_132 = tpu.memref_slice %arg10[%dma_wait3A_130, %dma_wait3A_131] : memref<256x144xf32, #tpu.memory_space<vmem>> -> memref<128x144xf32, #tpu.memory_space<vmem>>
        %dma_wait3A_133 = arith.constant 0 : i32
        %dma_wait3A_134 = tpu.memref_slice %arg9[%run_scoped3A_115, %dma_wait3A_133] : memref<2x128xi32, #tpu.memory_space<vmem>> -> memref<1x128xi32, #tpu.memory_space<vmem>>
        %dma_wait3A_135 = tpu.memref_squeeze %dma_wait3A_134 : memref<1x128xi32, #tpu.memory_space<vmem>> -> memref<128xi32, #tpu.memory_space<vmem>>
        %dma_wait3A_136 = arith.constant 0 : i32
        %dma_wait3A_137 = arith.constant 0 : i32
        %dma_wait3A_138 = tpu.memref_slice %arg11[%dma_wait3A_136, %dma_wait3A_137] : memref<10112x144xf32, #tpu.memory_space<vmem_shared>> -> memref<10112x144xf32, #tpu.memory_space<vmem_shared>>
        tpu.wait_indirect_dma semaphore(%run_scoped3A_120 : memref<!tpu.dma_semaphore, #tpu.memory_space<semaphore_mem>>) src(%dma_wait3A_132 : memref<128x144xf32, #tpu.memory_space<vmem>>) dst(%dma_wait3A_138 : memref<10112x144xf32, #tpu.memory_space<vmem_shared>>)
        tpu.yield
      }) : () -> ()
      %run_scoped3A_116 = arith.constant 1 : i32
      "tpu.region"() ({
        %run_scoped3A_120 = tpu.sem_alloc : memref<!tpu.dma_semaphore, #tpu.memory_space<semaphore_mem>>
        %dma_start3A_121 = arith.constant 128 : i32
        %dma_start3A_122 = arith.constant 0 : i32
        %dma_start3A_123 = tpu.memref_slice %arg10[%dma_start3A_121, %dma_start3A_122] : memref<256x144xf32, #tpu.memory_space<vmem>> -> memref<128x144xf32, #tpu.memory_space<vmem>>
        %dma_start3A_124 = arith.constant 0 : i32
        %dma_start3A_125 = tpu.memref_slice %arg9[%run_scoped3A_116, %dma_start3A_124] : memref<2x128xi32, #tpu.memory_space<vmem>> -> memref<1x128xi32, #tpu.memory_space<vmem>>
        %dma_start3A_126 = tpu.memref_squeeze %dma_start3A_125 : memref<1x128xi32, #tpu.memory_space<vmem>> -> memref<128xi32, #tpu.memory_space<vmem>>
        %dma_start3A_127 = arith.constant 0 : i32
        %dma_start3A_128 = arith.constant 0 : i32
        %dma_start3A_129 = tpu.memref_slice %arg11[%dma_start3A_127, %dma_start3A_128] : memref<10112x144xf32, #tpu.memory_space<vmem_shared>> -> memref<10112x144xf32, #tpu.memory_space<vmem_shared>>
        tpu.enqueue_indirect_dma source(%dma_start3A_123 : memref<128x144xf32, #tpu.memory_space<vmem>>) target(%dma_start3A_129 : memref<10112x144xf32, #tpu.memory_space<vmem_shared>>) offsets(%dma_start3A_126 : memref<128xi32, #tpu.memory_space<vmem>>) semaphore(%run_scoped3A_120 : memref<!tpu.dma_semaphore, #tpu.memory_space<semaphore_mem>>) {add = true}
        %dma_wait3A_130 = arith.constant 128 : i32
        %dma_wait3A_131 = arith.constant 0 : i32
        %dma_wait3A_132 = tpu.memref_slice %arg10[%dma_wait3A_130, %dma_wait3A_131] : memref<256x144xf32, #tpu.memory_space<vmem>> -> memref<128x144xf32, #tpu.memory_space<vmem>>
        %dma_wait3A_133 = arith.constant 0 : i32
        %dma_wait3A_134 = tpu.memref_slice %arg9[%run_scoped3A_116, %dma_wait3A_133] : memref<2x128xi32, #tpu.memory_space<vmem>> -> memref<1x128xi32, #tpu.memory_space<vmem>>
        %dma_wait3A_135 = tpu.memref_squeeze %dma_wait3A_134 : memref<1x128xi32, #tpu.memory_space<vmem>> -> memref<128xi32, #tpu.memory_space<vmem>>
        %dma_wait3A_136 = arith.constant 0 : i32
        %dma_wait3A_137 = arith.constant 0 : i32
        %dma_wait3A_138 = tpu.memref_slice %arg11[%dma_wait3A_136, %dma_wait3A_137] : memref<10112x144xf32, #tpu.memory_space<vmem_shared>> -> memref<10112x144xf32, #tpu.memory_space<vmem_shared>>
        tpu.wait_indirect_dma semaphore(%run_scoped3A_120 : memref<!tpu.dma_semaphore, #tpu.memory_space<semaphore_mem>>) src(%dma_wait3A_132 : memref<128x144xf32, #tpu.memory_space<vmem>>) dst(%dma_wait3A_138 : memref<10112x144xf32, #tpu.memory_space<vmem_shared>>)
        tpu.yield
      }) : () -> ()
      %convert_element_type3A_117 = arith.extui %lt3A_91 : i1 to i32
      %cond3A_118 = arith.constant 0 : i32
      %cond3A_119 = arith.cmpi ne, %convert_element_type3A_117, %cond3A_118 : i32
      scf.if %cond3A_119 {
        %add3A_120 = arith.constant 2 : i32
        %add3A_121 = arith.addi %add3A_87, %add3A_120 : i32
        %dma_start3A_122 = arith.constant 0 : i32
        %dma_start3A_123 = arith.constant 0 : i32
        %dma_start3A_124 = tpu.memref_slice %arg4[%add3A, %add3A_121, %dma_start3A_122, %dma_start3A_123] : memref<32x40x2x128xi32, #tpu.memory_space<hbm>> -> memref<1x1x2x128xi32, #tpu.memory_space<hbm>>
        %dma_start3A_125 = tpu.memref_squeeze %dma_start3A_124 : memref<1x1x2x128xi32, #tpu.memory_space<hbm>> -> memref<2x128xi32, #tpu.memory_space<hbm>>
        %dma_start3A_126 = arith.constant 0 : i32
        %dma_start3A_127 = arith.constant 0 : i32
        %dma_start3A_128 = tpu.memref_slice %arg4[%add3A, %add3A_121, %dma_start3A_126, %dma_start3A_127] : memref<32x40x2x128xi32, #tpu.memory_space<hbm>> -> memref<1x1x2x128xi32, #tpu.memory_space<hbm>>
        %dma_start3A_129 = tpu.memref_squeeze %dma_start3A_128 : memref<1x1x2x128xi32, #tpu.memory_space<hbm>> -> memref<2x128xi32, #tpu.memory_space<hbm>>
        tpu.enqueue_dma source(%dma_start3A_129 : memref<2x128xi32, #tpu.memory_space<hbm>>) target(%arg9 : memref<2x128xi32, #tpu.memory_space<vmem>>) target_semaphore(%arg16 : memref<!tpu.dma_semaphore, #tpu.memory_space<semaphore_mem>>)
      } else {
      }
    }
    %scan3A_54 = arith.constant 20 : i32
    %barrier3A_55 = arith.constant 0 : index
    tpu.barrier barrier_id(%barrier3A_55)
    "tpu.region"() ({
      %run_scoped3A = tpu.sem_alloc : memref<!tpu.dma_semaphore, #tpu.memory_space<semaphore_mem>>
      %dma_start3A_56 = arith.constant 0 : i32
      %dma_start3A_57 = tpu.memref_slice %arg5[%arg0, %multiple_of3A, %dma_start3A_56] : memref<2x10112x144xf32, #tpu.memory_space<hbm>> -> memref<1x632x144xf32, #tpu.memory_space<hbm>>
      %dma_start3A_58 = tpu.memref_squeeze %dma_start3A_57 : memref<1x632x144xf32, #tpu.memory_space<hbm>> -> memref<632x144xf32, #tpu.memory_space<hbm>>
      %dma_start3A_59 = arith.constant 0 : i32
      %dma_start3A_60 = tpu.memref_slice %arg11[%multiple_of3A, %dma_start3A_59] : memref<10112x144xf32, #tpu.memory_space<vmem_shared>> -> memref<632x144xf32, #tpu.memory_space<vmem_shared>>
      tpu.enqueue_dma source(%dma_start3A_60 : memref<632x144xf32, #tpu.memory_space<vmem_shared>>) target(%dma_start3A_58 : memref<632x144xf32, #tpu.memory_space<hbm>>) target_semaphore(%run_scoped3A : memref<!tpu.dma_semaphore, #tpu.memory_space<semaphore_mem>>)
      %dma_wait3A = arith.constant 0 : i32
      %dma_wait3A_61 = tpu.memref_slice %arg5[%arg0, %multiple_of3A, %dma_wait3A] : memref<2x10112x144xf32, #tpu.memory_space<hbm>> -> memref<1x632x144xf32, #tpu.memory_space<hbm>>
      %dma_wait3A_62 = tpu.memref_squeeze %dma_wait3A_61 : memref<1x632x144xf32, #tpu.memory_space<hbm>> -> memref<632x144xf32, #tpu.memory_space<hbm>>
      %dma_wait3A_63 = arith.constant 0 : i32
      %dma_wait3A_64 = tpu.memref_slice %arg11[%multiple_of3A, %dma_wait3A_63] : memref<10112x144xf32, #tpu.memory_space<vmem_shared>> -> memref<632x144xf32, #tpu.memory_space<vmem_shared>>
      tpu.wait_dma2 semaphore(%run_scoped3A : memref<!tpu.dma_semaphore, #tpu.memory_space<semaphore_mem>>) src(%dma_wait3A_64 : memref<632x144xf32, #tpu.memory_space<vmem_shared>>) dst(%dma_wait3A_62 : memref<632x144xf32, #tpu.memory_space<hbm>>)
      tpu.yield
    }) : () -> ()
    return
  }
}

module attributes {stable_mosaic.version = 14 : i64} {
  func.func @_tc_sage_body(%arg0: i32, %arg1: memref<2x1000x144xf32, #tpu.memory_space<vmem>>, %arg2: memref<1000x144xf32, #tpu.memory_space<vmem>>, %arg3: memref<128x128xf32, #tpu.memory_space<vmem>>, %arg4: memref<128x128xf32, #tpu.memory_space<vmem>>, %arg5: memref<1x128xf32, #tpu.memory_space<vmem>>, %arg6: memref<1000x144xf32, #tpu.memory_space<vmem>>) attributes {dimension_semantics = [#tpu.dimension_semantics<arbitrary>], iteration_bounds = array<i64: 10>, scalar_prefetch = 0 : i64, scratch_operands = 0 : i64, tpu.core_type = #tpu.core_type<tc>, window_params = [{transform_indices = @transform_0, window_bounds = array<i64: 2, 1000, 144>}, {transform_indices = @transform_1, window_bounds = array<i64: 1000, 144>}, {pipeline_mode = #tpu.pipeline_mode<synchronous>, transform_indices = @transform_2, window_bounds = array<i64: 128, 128>}, {pipeline_mode = #tpu.pipeline_mode<synchronous>, transform_indices = @transform_3, window_bounds = array<i64: 128, 128>}, {pipeline_mode = #tpu.pipeline_mode<synchronous>, transform_indices = @transform_4, window_bounds = array<i64: 1, 128>}, {transform_indices = @transform_5, window_bounds = array<i64: 1000, 144>}]} {
    %get3A = arith.constant 0 : index
    %get3A_0 = arith.constant 0 : index
    %get3A_1 = arith.constant 0 : index
    %get3A_2 = vector.load %arg1[%get3A, %get3A_0, %get3A_1] : memref<2x1000x144xf32, #tpu.memory_space<vmem>>, vector<1x1000x144xf32>
    %get3A_3 = vector.shape_cast %get3A_2 : vector<1x1000x144xf32> to vector<1000x144xf32>
    %get3A_4 = arith.constant 1 : index
    %get3A_5 = arith.constant 0 : index
    %get3A_6 = arith.constant 0 : index
    %get3A_7 = vector.load %arg1[%get3A_4, %get3A_5, %get3A_6] : memref<2x1000x144xf32, #tpu.memory_space<vmem>>, vector<1x1000x144xf32>
    %get3A_8 = vector.shape_cast %get3A_7 : vector<1x1000x144xf32> to vector<1000x144xf32>
    %add3A = arith.addf %get3A_3, %get3A_8 : vector<1000x144xf32>
    %slice3A = vector.extract_strided_slice %add3A {offsets = [0, 128], sizes = [1000, 1], strides = [1, 1]} : vector<1000x144xf32> to vector<1000x1xf32>
    %max3A = arith.constant 1.000000e+00 : f32
    %max3A_9 = vector.broadcast %max3A : f32 to vector<1000x1xf32>
    %max3A_10 = arith.maximumf %slice3A, %max3A_9 : vector<1000x1xf32>
    %slice3A_11 = vector.extract_strided_slice %add3A {offsets = [0, 0], sizes = [1000, 128], strides = [1, 1]} : vector<1000x144xf32> to vector<1000x128xf32>
    %div3A = vector.broadcast %max3A_10 : vector<1000x1xf32> to vector<1000x128xf32>
    %div3A_12 = arith.divf %slice3A_11, %div3A : vector<1000x128xf32>
    %get3A_13 = arith.constant 0 : index
    %get3A_14 = arith.constant 0 : index
    %get3A_15 = vector.load %arg3[%get3A_13, %get3A_14] : memref<128x128xf32, #tpu.memory_space<vmem>>, vector<128x128xf32>
    %dot_general3A = arith.constant dense<0.000000e+00> : vector<1000x128xf32>
    %dot_general3A_16 = tpu.matmul %div3A_12, %get3A_15, %dot_general3A {dimension_numbers = #tpu.dot_dimension_numbers<[1], [0], [0], [1], [0, 0, 1, 1], [], []>, transpose_lhs_hint = false} : vector<1000x128xf32>, vector<128x128xf32>, vector<1000x128xf32> -> vector<1000x128xf32>
    %get3A_17 = arith.constant 0 : index
    %get3A_18 = arith.constant 0 : index
    %get3A_19 = vector.load %arg2[%get3A_17, %get3A_18] : memref<1000x144xf32, #tpu.memory_space<vmem>>, vector<1000x128xf32>
    %get3A_20 = arith.constant 0 : index
    %get3A_21 = arith.constant 0 : index
    %get3A_22 = vector.load %arg4[%get3A_20, %get3A_21] : memref<128x128xf32, #tpu.memory_space<vmem>>, vector<128x128xf32>
    %dot_general3A_23 = arith.constant dense<0.000000e+00> : vector<1000x128xf32>
    %dot_general3A_24 = tpu.matmul %get3A_19, %get3A_22, %dot_general3A_23 {dimension_numbers = #tpu.dot_dimension_numbers<[1], [0], [0], [1], [0, 0, 1, 1], [], []>, transpose_lhs_hint = false} : vector<1000x128xf32>, vector<128x128xf32>, vector<1000x128xf32> -> vector<1000x128xf32>
    %add3A_25 = arith.addf %dot_general3A_16, %dot_general3A_24 : vector<1000x128xf32>
    %get3A_26 = arith.constant 0 : index
    %get3A_27 = arith.constant 0 : index
    %get3A_28 = vector.load %arg5[%get3A_26, %get3A_27] : memref<1x128xf32, #tpu.memory_space<vmem>>, vector<1x128xf32>
    %add3A_29 = vector.broadcast %get3A_28 : vector<1x128xf32> to vector<1000x128xf32>
    %add3A_30 = arith.addf %add3A_25, %add3A_29 : vector<1000x128xf32>
    %max3A_31 = arith.constant 0.000000e+00 : f32
    %max3A_32 = vector.broadcast %max3A_31 : f32 to vector<1000x128xf32>
    %max3A_33 = arith.maximumf %add3A_30, %max3A_32 : vector<1000x128xf32>
    %swap3A = arith.constant 0 : index
    %swap3A_34 = arith.constant 0 : index
    %swap3A_35 = vector.load %arg6[%swap3A, %swap3A_34] : memref<1000x144xf32, #tpu.memory_space<vmem>>, vector<1000x128xf32>
    tpu.vector_store %arg6[%swap3A, %swap3A_34], %max3A_33 {strides = array<i32>} : memref<1000x144xf32, #tpu.memory_space<vmem>>, vector<1000x128xf32>,
    %broadcast_in_dim3A = arith.constant 1.000000e+00 : f32
    %broadcast_in_dim3A_36 = vector.broadcast %broadcast_in_dim3A : f32 to vector<1000x16xf32>
    %swap3A_37 = arith.constant 0 : index
    %swap3A_38 = arith.constant 128 : index
    %swap3A_39 = vector.load %arg6[%swap3A_37, %swap3A_38] : memref<1000x144xf32, #tpu.memory_space<vmem>>, vector<1000x16xf32>
    tpu.vector_store %arg6[%swap3A_37, %swap3A_38], %broadcast_in_dim3A_36 {strides = array<i32>} : memref<1000x144xf32, #tpu.memory_space<vmem>>, vector<1000x16xf32>,
    return
  }
  func.func @transform_0(%arg0: i32) -> (i32, i32, i32) {
    %c0_i32 = arith.constant 0 : i32
    %c0_i32_0 = arith.constant 0 : i32
    %c0_i32_1 = arith.constant 0 : i32
    return %c0_i32, %arg0, %c0_i32_0 : i32, i32, i32
  }
  func.func @transform_1(%arg0: i32) -> (i32, i32) {
    %c0_i32 = arith.constant 0 : i32
    %c0_i32_0 = arith.constant 0 : i32
    return %arg0, %c0_i32 : i32, i32
  }
  func.func @transform_2(%arg0: i32) -> (i32, i32) {
    %c0_i32 = arith.constant 0 : i32
    %c0_i32_0 = arith.constant 0 : i32
    %c0_i32_1 = arith.constant 0 : i32
    return %c0_i32, %c0_i32_0 : i32, i32
  }
  func.func @transform_3(%arg0: i32) -> (i32, i32) {
    %c0_i32 = arith.constant 0 : i32
    %c0_i32_0 = arith.constant 0 : i32
    %c0_i32_1 = arith.constant 0 : i32
    return %c0_i32, %c0_i32_0 : i32, i32
  }
  func.func @transform_4(%arg0: i32) -> (i32, i32) {
    %c0_i32 = arith.constant 0 : i32
    %c0_i32_0 = arith.constant 0 : i32
    %c0_i32_1 = arith.constant 0 : i32
    return %c0_i32, %c0_i32_0 : i32, i32
  }
  func.func @transform_5(%arg0: i32) -> (i32, i32) {
    %c0_i32 = arith.constant 0 : i32
    %c0_i32_0 = arith.constant 0 : i32
    return %arg0, %c0_i32 : i32, i32
  }
}

module attributes {stable_mosaic.version = 14 : i64} {
  func.func @_tc_sage_body(%arg0: i32, %arg1: memref<2x1000x144xf32, #tpu.memory_space<vmem>>, %arg2: memref<1000x144xf32, #tpu.memory_space<vmem>>, %arg3: memref<128x128xf32, #tpu.memory_space<vmem>>, %arg4: memref<128x128xf32, #tpu.memory_space<vmem>>, %arg5: memref<1x128xf32, #tpu.memory_space<vmem>>, %arg6: memref<1000x128xf32, #tpu.memory_space<vmem>>) attributes {dimension_semantics = [#tpu.dimension_semantics<arbitrary>], iteration_bounds = array<i64: 10>, scalar_prefetch = 0 : i64, scratch_operands = 0 : i64, tpu.core_type = #tpu.core_type<tc>, window_params = [{transform_indices = @transform_0, window_bounds = array<i64: 2, 1000, 144>}, {transform_indices = @transform_1, window_bounds = array<i64: 1000, 144>}, {pipeline_mode = #tpu.pipeline_mode<synchronous>, transform_indices = @transform_2, window_bounds = array<i64: 128, 128>}, {pipeline_mode = #tpu.pipeline_mode<synchronous>, transform_indices = @transform_3, window_bounds = array<i64: 128, 128>}, {pipeline_mode = #tpu.pipeline_mode<synchronous>, transform_indices = @transform_4, window_bounds = array<i64: 1, 128>}, {transform_indices = @transform_5, window_bounds = array<i64: 1000, 128>}]} {
    %get3A = arith.constant 0 : index
    %get3A_0 = arith.constant 0 : index
    %get3A_1 = arith.constant 0 : index
    %get3A_2 = vector.load %arg1[%get3A, %get3A_0, %get3A_1] : memref<2x1000x144xf32, #tpu.memory_space<vmem>>, vector<1x1000x144xf32>
    %get3A_3 = vector.shape_cast %get3A_2 : vector<1x1000x144xf32> to vector<1000x144xf32>
    %get3A_4 = arith.constant 1 : index
    %get3A_5 = arith.constant 0 : index
    %get3A_6 = arith.constant 0 : index
    %get3A_7 = vector.load %arg1[%get3A_4, %get3A_5, %get3A_6] : memref<2x1000x144xf32, #tpu.memory_space<vmem>>, vector<1x1000x144xf32>
    %get3A_8 = vector.shape_cast %get3A_7 : vector<1x1000x144xf32> to vector<1000x144xf32>
    %add3A = arith.addf %get3A_3, %get3A_8 : vector<1000x144xf32>
    %slice3A = vector.extract_strided_slice %add3A {offsets = [0, 128], sizes = [1000, 1], strides = [1, 1]} : vector<1000x144xf32> to vector<1000x1xf32>
    %max3A = arith.constant 1.000000e+00 : f32
    %max3A_9 = vector.broadcast %max3A : f32 to vector<1000x1xf32>
    %max3A_10 = arith.maximumf %slice3A, %max3A_9 : vector<1000x1xf32>
    %slice3A_11 = vector.extract_strided_slice %add3A {offsets = [0, 0], sizes = [1000, 128], strides = [1, 1]} : vector<1000x144xf32> to vector<1000x128xf32>
    %div3A = vector.broadcast %max3A_10 : vector<1000x1xf32> to vector<1000x128xf32>
    %div3A_12 = arith.divf %slice3A_11, %div3A : vector<1000x128xf32>
    %get3A_13 = arith.constant 0 : index
    %get3A_14 = arith.constant 0 : index
    %get3A_15 = vector.load %arg3[%get3A_13, %get3A_14] : memref<128x128xf32, #tpu.memory_space<vmem>>, vector<128x128xf32>
    %dot_general3A = arith.constant dense<0.000000e+00> : vector<1000x128xf32>
    %dot_general3A_16 = tpu.matmul %div3A_12, %get3A_15, %dot_general3A {dimension_numbers = #tpu.dot_dimension_numbers<[1], [0], [0], [1], [0, 0, 1, 1], [], []>, transpose_lhs_hint = false} : vector<1000x128xf32>, vector<128x128xf32>, vector<1000x128xf32> -> vector<1000x128xf32>
    %get3A_17 = arith.constant 0 : index
    %get3A_18 = arith.constant 0 : index
    %get3A_19 = vector.load %arg2[%get3A_17, %get3A_18] : memref<1000x144xf32, #tpu.memory_space<vmem>>, vector<1000x128xf32>
    %get3A_20 = arith.constant 0 : index
    %get3A_21 = arith.constant 0 : index
    %get3A_22 = vector.load %arg4[%get3A_20, %get3A_21] : memref<128x128xf32, #tpu.memory_space<vmem>>, vector<128x128xf32>
    %dot_general3A_23 = arith.constant dense<0.000000e+00> : vector<1000x128xf32>
    %dot_general3A_24 = tpu.matmul %get3A_19, %get3A_22, %dot_general3A_23 {dimension_numbers = #tpu.dot_dimension_numbers<[1], [0], [0], [1], [0, 0, 1, 1], [], []>, transpose_lhs_hint = false} : vector<1000x128xf32>, vector<128x128xf32>, vector<1000x128xf32> -> vector<1000x128xf32>
    %add3A_25 = arith.addf %dot_general3A_16, %dot_general3A_24 : vector<1000x128xf32>
    %get3A_26 = arith.constant 0 : index
    %get3A_27 = arith.constant 0 : index
    %get3A_28 = vector.load %arg5[%get3A_26, %get3A_27] : memref<1x128xf32, #tpu.memory_space<vmem>>, vector<1x128xf32>
    %add3A_29 = vector.broadcast %get3A_28 : vector<1x128xf32> to vector<1000x128xf32>
    %add3A_30 = arith.addf %add3A_25, %add3A_29 : vector<1000x128xf32>
    %swap3A = arith.constant 0 : index
    %swap3A_31 = arith.constant 0 : index
    %swap3A_32 = vector.load %arg6[%swap3A, %swap3A_31] : memref<1000x128xf32, #tpu.memory_space<vmem>>, vector<1000x128xf32>
    tpu.vector_store %arg6[%swap3A, %swap3A_31], %add3A_30 {strides = array<i32>} : memref<1000x128xf32, #tpu.memory_space<vmem>>, vector<1000x128xf32>,
    return
  }
  func.func @transform_0(%arg0: i32) -> (i32, i32, i32) {
    %c0_i32 = arith.constant 0 : i32
    %c0_i32_0 = arith.constant 0 : i32
    %c0_i32_1 = arith.constant 0 : i32
    return %c0_i32, %arg0, %c0_i32_0 : i32, i32, i32
  }
  func.func @transform_1(%arg0: i32) -> (i32, i32) {
    %c0_i32 = arith.constant 0 : i32
    %c0_i32_0 = arith.constant 0 : i32
    return %arg0, %c0_i32 : i32, i32
  }
  func.func @transform_2(%arg0: i32) -> (i32, i32) {
    %c0_i32 = arith.constant 0 : i32
    %c0_i32_0 = arith.constant 0 : i32
    %c0_i32_1 = arith.constant 0 : i32
    return %c0_i32, %c0_i32_0 : i32, i32
  }
  func.func @transform_3(%arg0: i32) -> (i32, i32) {
    %c0_i32 = arith.constant 0 : i32
    %c0_i32_0 = arith.constant 0 : i32
    %c0_i32_1 = arith.constant 0 : i32
    return %c0_i32, %c0_i32_0 : i32, i32
  }
  func.func @transform_4(%arg0: i32) -> (i32, i32) {
    %c0_i32 = arith.constant 0 : i32
    %c0_i32_0 = arith.constant 0 : i32
    %c0_i32_1 = arith.constant 0 : i32
    return %c0_i32, %c0_i32_0 : i32, i32
  }
  func.func @transform_5(%arg0: i32) -> (i32, i32) {
    %c0_i32 = arith.constant 0 : i32
    %c0_i32_0 = arith.constant 0 : i32
    return %arg0, %c0_i32 : i32, i32
  }
}

</mosaic_0001>

<sc_bundles>
// kernel: kernel.6.cloned.1.call-start
scs
__scs_entry_jumppad:
0x0: {  	(pc) =	sbr.rel $0x88, $3  }
0x1: {  	(tag) =	ssettag $0x0;
	lr =	simm.s32 $0x1  }
0x2: {  	[smem:$0x3F99] =	sst lr;
	_ =	strace $0xD0000000  }
0x3: {  	_ = 	snop  }
0x4: {  	_ = 	snop  }
0x5: {  	_ = 	snop  }
0x6: {  	_ = 	snop  }
0x7: {  	_ = 	snop  }
__scs_overlays_trampoline_lowered:
0x8: {  	[smem:$0x3FA8] =	sst s0  }
0x9: {  	[smem:$0x3FA9] =	sst s1  }
0xa: {  	[smem:$0x3FAA] =	sst s2  }
0xb: {  	[smem:$0x3FAB] =	sst s3  }
0xc: {  	[smem:$0x3FAC] =	sst s4  }
0xd: {  	[smem:$0x3FAD] =	sst s5  }
0xe: {  	[smem:$0x3FAE] =	sst s6  }
0xf: {  	[smem:$0x3FAF] =	sst s7  }
0x10: {  	[smem:$0x3FB0] =	sst s8  }
0x11: {  	[smem:$0x3FB1] =	sst s9;
	s0 =	simm.s32 @!p0 $0x0  }
0x12: {  	s1 =	sld [smem:$0x3F97];
	s0 =	simm.s32 @p0 $0x1  }
0x13: {  	[smem:$0x3FB2] =	sst s0;
	s0 =	simm.s32 @!p1 $0x0  }
0x14: {  	s2 =	sld [smem:$0x3F96];
	s0 =	simm.s32 @p1 $0x1  }
0x15: {  	[smem:$0x3FB3] =	sst s0;
	s0 =	simm.s32 @!p2 $0x0  }
0x16: {  	s3 =	sld [smem:$0x3FDB];
	s0 =	simm.s32 @p2 $0x1  }
0x17: {  	s4 =	simm.s32 $0x1BF5;
	[smem:$0x3FB5] =	sst s0  }
0x18: {  	s0 =	sld [smem:$0x3F98];
	_ =	swait.ge [sflag:s4], $0x0  }
0x19: {  	s7 =	sld [smem:$0x3F99]  }
0x1a: {  	s8 =	sadd.s32 $0xFFFFE003, lr  }
0x1b: {  	s9 =	sadd.s32 $0xFFFFFEF7, lr;
	s5 =	simm.s32 $0xFFFFFFFF;
	p2 =	slt.u32 s8, $0xFFFFF086  }
0x1c: {  	p1 =	slt.u32 s9, $0xF7A;
	s5 =	simm.s32 @!p2 $0x0  }
0x1d: {  	s5 =	simm.s32 @p1 $0x1;
	p0 =	seq.s32 s7, s2  }
0x1e: {  	s7 =	smul.u32 @!p0 $0xF7A, s2;
	p2 =	seq.s32 @!p0 s5, $0x0  }
0x1f: {  	s9 =	smul.u32 $0xF7A, s1;
	s8 =	simm.s32 @!p0 $0x1BF5;
	p2 =	por !p2, p0  }
0x20: {  	[sflag:s8] =	ssyncset.s32 @!p0 $0xFFFFF086;
	s6 =	sadd.s32 @!p0 s3, s7;
	s7 =	simm.s32 @!p0 $0x108  }
0x21: {  	s3 =	sadd.s32 s3, s9;
	s6 =	sadd.s32 @!p0 $0x88, s6;
	s7 =	simm.s32 @p2 $0x1082  }
0x22: {  	[simem:s7], [sflag:s8] =	dma.local @!p0 [hbm:s6], $0xF7A  }
0x23: {  	s9 =	sor.u32 $0xD0000000, s2;
	s6 =	simm.s32 $0x108;
	_ =	swait.ge @!p0 [sflag:s8], $0x0  }
0x24: {  	s3 =	sadd.s32 $0x88, s3;
	s6 =	simm.s32 @!p1 $0x1082;
	[sflag:s4] =	ssyncset.s32 $0xFFFFF086  }
0x25: {  	[simem:s6], [sflag:s4] =	dma.local [hbm:s3], $0xF7A  }
0x26: {  	[smem:$0x3F99] =	sst s1;
	(tag) =	ssettag s2;
	_ =	strace s9  }
0x27: {  	s1 =	sld [smem:$0x3FA9]  }
0x28: {  	s2 =	sld [smem:$0x3FAA]  }
0x29: {  	s4 =	sld [smem:$0x3FAC]  }
0x2a: {  	p0 =	seq.s32 s5, $0x0;
	s5 =	sld [smem:$0x3FAD]  }
0x2b: {  	s6 =	sld [smem:$0x3FAE]  }
0x2c: {  	s7 =	sld [smem:$0x3FAF]  }
0x2d: {  	s3 =	simm.s32 $0x108;
	s8 =	sld [smem:$0x3FB0]  }
0x2e: {  	s3 =	simm.s32 @!p0 $0x1082;
	s9 =	sld [smem:$0x3FB1]  }
0x2f: {  	lr =	sadd.s32 s0, s3;
	s0 =	sld [smem:$0x3FA8]  }
0x30: {  	s3 =	sld [smem:$0x3FAB]  }
0x31: {  	[smem:$0x3FB4] =	sst s10  }
0x32: {  	s10 =	sld [smem:$0x3FB2];
	_ =	sdelay $0x3  }
0x33: {  	p0 =	seq.s32 s10, $0x1;
	s10 =	sld [smem:$0x3FB4];
	_ =	sdelay $0x3  }
0x34: {  	[smem:$0x3FB4] =	sst s10  }
0x35: {  	s10 =	sld [smem:$0x3FB3];
	_ =	sdelay $0x3  }
0x36: {  	p1 =	seq.s32 s10, $0x1;
	s10 =	sld [smem:$0x3FB4];
	_ =	sdelay $0x3  }
0x37: {  	[smem:$0x3FB4] =	sst s10  }
0x38: {  	s10 =	sld [smem:$0x3FB5]  }
0x39: {  	_ = 	snop;
	(pc) =	sbr.ind lr, $3  }
0x3a: {  	_ = 	snop  }
0x3b: {  	_ = 	snop  }
0x3c: {  	p2 =	seq.s32 s10, $0x1;
	s10 =	sld [smem:$0x3FB4]  }
0x3d: {  	_ =	shalt  }
0x3e: {  	_ =	shalt  }
0x3f: {  	_ =	shalt  }
0x40: {  	_ =	shalt  }
0x41: {  	_ =	shalt  }
0x42: {  	_ =	shalt  }
0x43: {  	_ =	shalt  }
0x44: {  	_ =	shalt  }
0x45: {  	_ =	shalt  }
0x46: {  	_ =	shalt  }
0x47: {  	_ =	shalt  }
0x48: {  	_ =	shalt  }
0x49: {  	_ =	shalt  }
0x4a: {  	_ =	shalt  }
0x4b: {  	_ =	shalt  }
0x4c: {  	_ =	shalt  }
0x4d: {  	_ =	shalt  }
0x4e: {  	_ =	shalt  }
0x4f: {  	_ =	shalt  }
0x50: {  	_ =	shalt  }
0x51: {  	_ =	shalt  }
0x52: {  	_ =	shalt  }
0x53: {  	_ =	shalt  }
0x54: {  	_ =	shalt  }
0x55: {  	_ =	shalt  }
0x56: {  	_ =	shalt  }
0x57: {  	_ =	shalt  }
0x58: {  	_ =	shalt  }
0x59: {  	_ =	shalt  }
0x5a: {  	_ =	shalt  }
0x5b: {  	_ =	shalt  }
0x5c: {  	_ =	shalt  }
0x5d: {  	_ =	shalt  }
0x5e: {  	_ =	shalt  }
0x5f: {  	_ =	shalt  }
0x60: {  	_ =	shalt  }
0x61: {  	_ =	shalt  }
0x62: {  	_ =	shalt  }
0x63: {  	_ =	shalt  }
0x64: {  	_ =	shalt  }
0x65: {  	_ =	shalt  }
0x66: {  	_ =	shalt  }
0x67: {  	_ =	shalt  }
0x68: {  	_ =	shalt  }
0x69: {  	_ =	shalt  }
0x6a: {  	_ =	shalt  }
0x6b: {  	_ =	shalt  }
0x6c: {  	_ =	shalt  }
0x6d: {  	_ =	shalt  }
0x6e: {  	_ =	shalt  }
0x6f: {  	_ =	shalt  }
0x70: {  	_ =	shalt  }
0x71: {  	_ =	shalt  }
0x72: {  	_ =	shalt  }
0x73: {  	_ =	shalt  }
0x74: {  	_ =	shalt  }
0x75: {  	_ =	shalt  }
0x76: {  	_ =	shalt  }
0x77: {  	_ =	shalt  }
0x78: {  	_ =	shalt  }
0x79: {  	_ =	shalt  }
0x7a: {  	_ =	shalt  }
0x7b: {  	_ =	shalt  }
0x7c: {  	_ =	shalt  }
0x7d: {  	_ =	shalt  }
0x7e: {  	_ =	shalt  }
0x7f: {  	_ =	shalt  }
0x80: {  	_ =	shalt  }
0x81: {  	_ =	shalt  }
0x82: {  	_ =	shalt  }
0x83: {  	_ =	shalt  }
0x84: {  	_ =	shalt  }
0x85: {  	_ =	shalt  }
0x86: {  	_ =	shalt  }
0x87: {  	_ =	shalt  }
.Lfunc_end0:
.L_simem_size_0:
called_computation_lowered:
.L_overlay_start_0:
0x88: {  	s2 =	sld [smem:$0x3FD9]  }
0x89: {  	s3 =	sld [smem:$0x3FFE];
	_ =	sdelay $0x1  }
0x8a: {  	s1 =	srdreg.scid  }
0x8b: {  	s0 =	sand.u32 $0x1, s1  }
0x8c: {  	s17 =	sshll.u32 s0, $0xA;
	s2 =	sadd.s32 s3, s2  }
0x8d: {  	s2 =	sadd.s32 s2, s17  }
0x8e: {  	[smem:$0x3FC0] =	sst s2  }
0x8f: {  	_ = 	snop  }
0x90: {  	s2 =	sld [smem:$0x3FD0];
	(tm) =	ssettm $0x1  }
0x91: {  	s18 =	sld [smem:$0x3FFB];
	_ =	sdelay $0x3  }
0x92: {  	_ =	strace s18  }
0x93: {  	s3 =	sld [smem:$0x3FFC];
	_ =	sdelay $0x3  }
0x94: {  	_ =	strace s3  }
0x95: {  	s3 =	sld [smem:$0x3FFD];
	_ =	sdelay $0x3  }
0x96: {  	_ =	strace s3  }
0x97: {  	_ =	strace $0x8FFFFFFF  }
0x98: {  	s19 =	sld [smem:$0x3FDB];
	_ =	sdelay $0x1  }
0x99: {  	s4 =	simm.s32 $_scs_section_size  }
0x9a: {  	s5 =	simm.s32 $_size__tile_overlayer_lowered;
	s6 =	simm.s32 $_tile_overlayer_lowered  }
0x9b: {  	s22 =	simm.s32 $0x1BFF;
	s21 =	sshll.u32 s6, $0x1;
	s3 =	sadd.s32 s4, s19  }
0x9c: {  	s7 =	simm.s32 $0x0;
	s20 =	sshll.u32 s5, $0x1;
	s5 =	sadd.s32 s21, s3  }
0x9d: {  	[timem:s7], [sflag:s22] =	dma.local [hbm:s5], s20  }
0x9e: {  	_ =	swait.ge [sflag:s22], s20  }
0x9f: {  	s4 =	ssub.s32 $0x0, s20;
	[sflag:s22] =	ssyncset.done $0x0  }
0xa0: {  	[sflag:s22] =	ssyncadd.s32 s4;
	_ =	sdelay $0x1  }
0xa1: {  	s23 =	simm.s32 $0x1B8B  }
0xa2: {  	_ =	swait.ge [sflag:s23], $0x1  }
0xa3: {  	[sflag:s23] =	ssyncset.done $0x0  }
0xa4: {  	s25 =	simm.s32 $0x1B8E;
	s24 =	sld [smem:$0x3FFE];
	[sflag:s23] =	ssyncadd.s32 $0xFFFFFFFF  }
0xa5: {  	s26 =	simm.s32 $execute0_lowered;
	[smem:$0x3FD2] =	sst s25  }
0xa6: {  	s5 =	sshll.u32 s26, $0x1;
	_ =	strace $0x80000046;
	[dreg:$0x1] =	wrdreg $0xFFFFFFFF  }
0xa7: {  	s28 =	simm.s32 $_size_execute0_lowered;
	s3 =	sadd.s32 s3, s5;
	[dreg:$0x0] =	wrdreg $0x0  }
0xa8: {  	s5 =	sshll.u32 s28, $0x1;
	[dreg:$0x2] =	wrdreg s3  }
0xa9: {  	[dreg:$0x3] =	wrdreg s5  }
0xaa: {  	[dreg:$0x4] =	wrdreg $0xC0  }
0xab: {  	_ =	task [dreg:s7], $0x5FFFF  }
0xac: {  	[dreg:$0x1] =	wrdreg $0xFFFFFFFF  }
0xad: {  	[dreg:$0x0] =	wrdreg $0x60  }
0xae: {  	[dreg:$0x2] =	wrdreg s24  }
0xaf: {  	[dreg:$0x3] =	wrdreg s2  }
0xb0: {  	[dreg:$0x4] =	wrdreg $0x94000  }
0xb1: {  	[dreg:$0x5] =	wrdreg $0x9  }
0xb2: {  	_ =	task.clear_ibuf [dreg:s7], $0x6FFFF;
	_ =	strace $0x90000046  }
0xb3: {  	s29 =	simm.s32 $0x9;
	_ =	strace $0x80000048  }
0xb4: {  	_ =	swait.ge [sflag:s29], $0x1  }
0xb5: {  	[sflag:s29] =	ssyncadd.s32 $0xFFFFFFFF  }
0xb6: {  	_ =	strace $0x90000048  }
0xb7: {  	_ =	sfence  }
0xb8: {  	s30 =	sld [smem:$0x0];
	_ =	sdelay $0x2  }
0xb9: {  	s31 =	sshll.u32 s1, $0xD;
	s1 =	sshrl.u32 s1, $0x2  }
0xba: {  	s3 =	sand.u32 $0x4000, s31;
	s1 =	sadd.s32 s1, s30  }
0xbb: {  	s0 =	sor.u32 s3, s0;
	s1 =	sshll.u32 s1, $0x11  }
0xbc: {  	s0 =	sor.u32 s1, s0  }
0xbd: {  	s0 =	sadd.s32 $0x8F2B, s0  }
0xbe: {  	[sflag:s0] =	ssyncadd.remote.s32 $0x1  }
0xbf: {  	_ =	sfence.sel $0xFFFF  }
0xc0: {  	[dreg:$0x0] =	wrdreg $0xFFFFFFFF;
	(pc) =	sbr.abs _section_cstart, $3  }
0xc1: {  	[dreg:$0x1] =	wrdreg $0xFFFFFFFF  }
0xc2: {  	_ =	task.clear_ibuf [dreg:s7], $0x2FFFF;
	_ =	strace $0x9FFFFFFF  }
0xc3: {  	(tm) =	ssettm $0x7FFFFFFF  }
tec
execute0_lowered:
.L_overlay_start_1:
0x0: {  	(tag) =	ssettag $0x1  }
0x1: {  	s0 =	rddreg [dreg:$0x0]  }
0x2: {  	s1 =	rddreg [dreg:$0x1];
	s3 =	srdreg.scid  }
0x3: {  	s12 =	stileid.u32;
	s2 =	rddreg [dreg:$0x2]  }
0x4: {  	s28 =	simm.s32 $0x4;
	s29 =	simm.s32 $0x80;
	s30 =	simm.s32 $0x280  }
0x5: {  	s31 =	simm.s32 $0x4C00;
	s6 =	sand.u32 $0x1, s3;
	s5 =	smul.u32 $0x16380, s12  }
0x6: {  	s3 =	simm.s32 $0x0;
	s4 =	sadd.s32 $0xB400, s0;
	s9 =	smul.u32 $0x58E00, s12  }
0x7: {  	s8 =	sadd.s32 $0x1400, s0;
	s10 =	sshll.u32 s12, $0x1;
	s12 =	smul.u32 $0x5000, s12  }
0x8: {  	s7 =	smul.u32 $0x163800, s6;
	[smem:$0x7FF] =	sst s3;
	s18 =	ssub.s32 $0x2, s6  }
0x9: {  	s10 =	sor.u32 s6, s10;
	s6 =	smul.u32 $0x2800, s6;
	_ =	strace $0x80000047  }
0xa: {  	s11 =	sshrl.u32 s18, $0x1;
	s9 =	sshrl.u32 s9, $0x2;
	s10 =	smul.u32 $0x2800, s10  }
0xb: {  	s7 =	sadd.s32 s5, s7;
	s9 =	sadd.s32 s9, s2;
	s5 =	sadd.s32 s5, s2  }
0xc: {  	s6 =	sadd.s32 s6, s12;
	s7 =	sshrl.u32 s7, $0x3;
	s19 =	sadd.s32 $0x4800, s9  }
0xd: {  	s20 =	sadd.s32 $0x9000, s9;
	s13 =	sshrl.u32 s10, $0x3;
	[dreg:$0x4] =	wrdreg s19  }
0xe: {  	s21 =	sadd.s32 $0xD800, s9;
	s9 =	sadd.s32 $0x12000, s9;
	[dreg:$0x5] =	wrdreg s20  }
0xf: {  	s25 =	sor.u32 $0x200, s6;
	s6 =	sor.u32 $0x300, s6;
	[dreg:$0x6] =	wrdreg s21  }
0x10: {  	s0 =	sadd.s32 s7, s0;
	s7 =	ssub.s32 s18, s11;
	[dreg:$0x7] =	wrdreg s9  }
0x11: {  	s22 =	sadd.s32 s1, s13;
	s23 =	sadd.s32 s8, s13;
	s24 =	sor.u32 $0x20, s13  }
0x12: {  	s26 =	sshrl.u32 s25, $0x3;
	s6 =	sshrl.u32 s6, $0x3;
	s20 =	simm.s32 $0x400  }
0x13: {  	s21 =	simm.s32 $0x6;
	s25 =	simm.s32 $0x2;
	[dreg:$0x8] =	wrdreg s22  }
0x14: {  	[dreg:$0x9] =	wrdreg s23;
	s12 =	sadd.s32 s1, s24;
	s13 =	sadd.s32 s8, s24  }
.Ltmp0:
0x15: {  	s14 =	sadd.s32 $0x37400, s0;
	s15 =	smax.u32 s7, $0x1;
	(pc) =	sbr.rel .LBB2_1-.Ltmp0, $4  }
0x16: {  	s16 =	sadd.s32 s26, s8;
	s17 =	sadd.s32 s26, s1;
	s18 =	sadd.s32 s6, s8  }
0x17: {  	s19 =	sadd.s32 s6, s1;
	s22 =	simm.s32 $0x200;
	s23 =	simm.s32 $0x100  }
0x18: {  	s24 =	simm.s32 $0x300;
	s26 =	simm.s32 $0x1;
	s1 =	simm.s32 $0x3  }
0x19: {  	v0 =	vimm.f32 $0.0e+00;
	s0 =	simm.s32 $0x5;
	s6 =	simm.s32 $0x380;
	s7 =	simm.s32 $0x0  }
.LBB2_6:
0x1a: {  	s8 =	stileid.u32;
	s7 =	sadd.s32 $0x1, s7  }
0x1b: {  	[bflag:$0x0] =	sbarrier.arrive $0xFFFF;
	s8 =	sshll.u32 s8, $0x6;
	p0 =	sne.s32 s7, s15  }
.Ltmp1:
0x1c: {  	s9 =	sshrl.u32 s5, $0x3;
	s8 =	sor.u32 $0x1C06, s8;
	(pc) =	sbr.rel @!p0 .LBB2_7-.Ltmp1, $4  }
0x1d: {  	[hbm:s14], [sflag:s8] =	dma.local [spmem:s9], $0x2C70  }
0x1e: {  	_ =	swait.ge [sflag:s21], $0x2C70  }
0x1f: {  	[sflag:s21] =	ssyncset.done $0x0  }
0x20: {  	[sflag:s21] =	ssyncadd.s32 $0xFFFFD390  }
.LBB2_1:
0x21: {  	s8 =	simm.s32 $0x0;
	s9 =	simm.s32 $0x240  }
.LBB2_2:
0x22: {  	p0 =	sne.s32 s9, $0x11DC0;
	[tilespmem:s8+$0x480] =	vst v0  }
0x23: {  	[tilespmem:s8+$0x400] =	vst v0  }
0x24: {  	[tilespmem:s8+$0x410] =	vst v0  }
0x25: {  	[tilespmem:s8+$0x420] =	vst v0  }
.Ltmp2:
0x26: {  	[tilespmem:s8+$0x430] =	vst v0;
	(pc) =	sbr.rel @p0 .LBB2_2-.Ltmp2, $4  }
0x27: {  	[tilespmem:s8+$0x440] =	vst v0  }
0x28: {  	[tilespmem:s8+$0x450] =	vst v0  }
0x29: {  	[tilespmem:s8+$0x460] =	vst v0  }
0x2a: {  	[tilespmem:s8+$0x470] =	vst v0;
	s8 =	sshra.s32 s9, $0x2;
	s9 =	sadd.s32 $0x240, s9  }
0x2b: {  	[tilespmem:s8+$0x480] =	vst v0  }
0x2c: {  	[tilespmem:s8+$0x400] =	vst v0  }
0x2d: {  	[tilespmem:s8+$0x410] =	vst v0  }
0x2e: {  	[tilespmem:s8+$0x420] =	vst v0  }
0x2f: {  	[tilespmem:s8+$0x430] =	vst v0  }
0x30: {  	[tilespmem:s8+$0x440] =	vst v0  }
0x31: {  	[tilespmem:s8+$0x450] =	vst v0  }
0x32: {  	[tilespmem:s8+$0x460] =	vst v0  }
0x33: {  	[tilespmem:s8+$0x470] =	vst v0  }
0x34: {  	[spmem:s5] =	stream.linear.scatter [tilespmem:s20], [sflag:$0x6], $0x4800, $0x38;
	[tilespmem:$0x1F780] =	vst v63  }
0x35: {  	_ =	swait.ge [sflag:s21], $0x4800  }
0x36: {  	[sflag:s21] =	ssyncset.done $0x0  }
0x37: {  	s10 =	rddreg [dreg:$0x4];
	[sflag:s21] =	ssyncadd.s32 $0xFFFFB800  }
0x38: {  	[spmem:s10] =	stream.linear.scatter [tilespmem:s20], [sflag:$0x6], $0x4800, $0x38;
	[tilespmem:$0x1F780] =	vst v63  }
0x39: {  	_ =	swait.ge [sflag:s21], $0x4800  }
0x3a: {  	[sflag:s21] =	ssyncset.done $0x0  }
0x3b: {  	s11 =	rddreg [dreg:$0x5];
	[sflag:s21] =	ssyncadd.s32 $0xFFFFB800  }
0x3c: {  	[spmem:s11] =	stream.linear.scatter [tilespmem:s20], [sflag:$0x6], $0x4800, $0x38;
	[tilespmem:$0x1F780] =	vst v63  }
0x3d: {  	_ =	swait.ge [sflag:s21], $0x4800  }
0x3e: {  	[sflag:s21] =	ssyncset.done $0x0  }
0x3f: {  	s9 =	rddreg [dreg:$0x6];
	[sflag:s21] =	ssyncadd.s32 $0xFFFFB800  }
0x40: {  	[spmem:s9] =	stream.linear.scatter [tilespmem:s20], [sflag:$0x6], $0x4800, $0x38;
	[tilespmem:$0x1F780] =	vst v63  }
0x41: {  	_ =	swait.ge [sflag:s21], $0x4800  }
0x42: {  	[sflag:s21] =	ssyncset.done $0x0  }
0x43: {  	s10 =	rddreg [dreg:$0x7];
	[sflag:s21] =	ssyncadd.s32 $0xFFFFB800  }
0x44: {  	[spmem:s10] =	stream.linear.scatter [tilespmem:s20], [sflag:$0x6], $0x4380, $0x38;
	[tilespmem:$0x1F780] =	vst v63  }
0x45: {  	_ =	swait.ge [sflag:s21], $0x4380  }
0x46: {  	[sflag:s21] =	ssyncset.done $0x0  }
0x47: {  	[sflag:s21] =	ssyncadd.s32 $0xFFFFBC80  }
0x48: {  	[bflag:$0x0] =	sbarrier.arrive $0xFFFF  }
0x49: {  	s8 =	simm.s32 $0x0;
	s9 =	rddreg [dreg:$0x8]  }
0x4a: {  	[tilespmem:s8], [sflag:$0x2] =	stream.linear.gather [hbm4b:s9+s8], $0x100, $0x38;
	[tilespmem:$0x1F780] =	vst v63  }
0x4b: {  	s11 =	rddreg [dreg:$0x9]  }
0x4c: {  	[tilespmem:s22], [sflag:$0x4] =	stream.linear.gather [hbm4b:s11+s8], $0x100, $0x38;
	[tilespmem:$0x1F780] =	vst v63  }
0x4d: {  	_ = 	snop  }
0x4e: {  	[tilespmem:s23], [sflag:$0x3] =	stream.linear.gather [hbm4b:s12+s8], $0x100, $0x38;
	[tilespmem:$0x1F780] =	vst v63  }
0x4f: {  	_ = 	snop  }
0x50: {  	[tilespmem:s24], [sflag:$0x5] =	stream.linear.gather [hbm4b:s13+s8], $0x100, $0x38;
	[tilespmem:$0x1F780] =	vst v63  }
.LBB2_4:
0x51: {  	_ =	swait.ge [sflag:s25], $0x100  }
0x52: {  	[sflag:s25] =	ssyncset.done $0x0  }
0x53: {  	[sflag:s25] =	ssyncadd.s32 $0xFFFFFF00  }
0x54: {  	[tilespmem:s20], [sflag:$0x1] =	stream.indirect.gather [hbm4b:s4+s23], $0x90, s3, s23, $0xb8;
	[tilespmem:$0x1F780] =	vst v63  }
0x55: {  	_ =	swait.ge [sflag:s26], $0x9000  }
0x56: {  	p0 =	seq.s32 s8, $0x4C0;
	[sflag:s26] =	ssyncset.done $0x0  }
0x57: {  	s9 =	sadd.s32 @!p0 s8, s17;
	s10 =	simm.s32 @!p0 $0x0;
	[sflag:s26] =	ssyncadd.s32 $0xFFFF7000  }
0x58: {  	[tilespmem:s10], [sflag:$0x2] =	stream.linear.gather @!p0 [hbm4b:s9+s10], $0x100, $0x38;
	[tilespmem:$0x1F780] =	vst v63  }
0x59: {  	_ =	swait.ge [sflag:s28], $0x100  }
0x5a: {  	[sflag:s28] =	ssyncset.done $0x0  }
0x5b: {  	[sflag:s28] =	ssyncadd.s32 $0xFFFFFF00  }
0x5c: {  	[spmem:s2] =	stream.indirect.scatter.add.f32 [tilespmem:s20], [sflag:$0x6], $0x90, s22, s29, $0xb8;
	[tilespmem:$0x1F780] =	vst v63  }
0x5d: {  	_ =	swait.ge [sflag:s21], $0x4800  }
0x5e: {  	[sflag:s21] =	ssyncset.done $0x0  }
0x5f: {  	[sflag:s21] =	ssyncadd.s32 $0xFFFFB800  }
0x60: {  	[spmem:s2] =	stream.indirect.scatter.add.f32 [tilespmem:s31], [sflag:$0x6], $0x90, s30, s29, $0xb8;
	[tilespmem:$0x1F780] =	vst v63  }
0x61: {  	_ =	swait.ge [sflag:s21], $0x4800  }
0x62: {  	[sflag:s21] =	ssyncset.done $0x0  }
0x63: {  	s11 =	simm.s32 @!p0 $0x200;
	s9 =	sadd.s32 @!p0 s8, s16;
	[sflag:s21] =	ssyncadd.s32 $0xFFFFB800  }
0x64: {  	[tilespmem:s11], [sflag:$0x4] =	stream.linear.gather @!p0 [hbm4b:s9+s10], $0x100, $0x38;
	[tilespmem:$0x1F780] =	vst v63  }
0x65: {  	_ =	swait.ge [sflag:s1], $0x100  }
0x66: {  	[sflag:s1] =	ssyncset.done $0x0  }
0x67: {  	[sflag:s1] =	ssyncadd.s32 $0xFFFFFF00  }
0x68: {  	[tilespmem:s20], [sflag:$0x1] =	stream.indirect.gather [hbm4b:s4+s23], $0x90, s23, s23, $0xb8;
	[tilespmem:$0x1F780] =	vst v63  }
0x69: {  	_ =	swait.ge [sflag:s26], $0x9000  }
0x6a: {  	[sflag:s26] =	ssyncset.done $0x0  }
0x6b: {  	s9 =	sadd.s32 @!p0 s8, s19;
	s11 =	simm.s32 @!p0 $0x100;
	[sflag:s26] =	ssyncadd.s32 $0xFFFF7000  }
0x6c: {  	[tilespmem:s11], [sflag:$0x3] =	stream.linear.gather @!p0 [hbm4b:s9+s10], $0x100, $0x38;
	[tilespmem:$0x1F780] =	vst v63  }
0x6d: {  	_ =	swait.ge [sflag:s0], $0x100  }
0x6e: {  	[sflag:s0] =	ssyncset.done $0x0  }
0x6f: {  	[sflag:s0] =	ssyncadd.s32 $0xFFFFFF00  }
0x70: {  	[spmem:s2] =	stream.indirect.scatter.add.f32 [tilespmem:s20], [sflag:$0x6], $0x90, s24, s29, $0xb8;
	[tilespmem:$0x1F780] =	vst v63  }
0x71: {  	_ =	swait.ge [sflag:s21], $0x4800  }
0x72: {  	[sflag:s21] =	ssyncset.done $0x0  }
.Ltmp3:
0x73: {  	[sflag:s21] =	ssyncadd.s32 $0xFFFFB800;
	(pc) =	sbr.rel @p0 .LBB2_6-.Ltmp3, $4  }
0x74: {  	[spmem:s2] =	stream.indirect.scatter.add.f32 [tilespmem:s31], [sflag:$0x6], $0x90, s6, s29, $0xb8;
	[tilespmem:$0x1F780] =	vst v63  }
0x75: {  	_ =	swait.ge [sflag:s21], $0x4800  }
0x76: {  	[sflag:s21] =	ssyncset.done $0x0  }
0x77: {  	[sflag:s21] =	ssyncadd.s32 $0xFFFFB800  }
.Ltmp4:
0x78: {  	(pc) =	sbr.rel .LBB2_4-.Ltmp4, $3  }
0x79: {  	_ =	sdelay $0x1  }
0x7a: {  	s9 =	sadd.s32 s8, s18;
	s8 =	sadd.s32 $0x40, s8  }
0x7b: {  	[tilespmem:s24], [sflag:$0x5] =	stream.linear.gather [hbm4b:s9+s3], $0x100, $0x38;
	[tilespmem:$0x1F780] =	vst v63  }
.LBB2_7:
0x7c: {  	_ =	sfence.sel $0x180000  }
0x7d: {  	[bflag:$0x0] =	sbarrier.arrive $0xFFFF  }
0x7e: {  	_ =	strace $0x90000047  }
0x7f: {  	s0 =	stileid.u32;
	[bflag:$0x2] =	sbarrier.arrive $0xFFFF  }
0x80: {  	p0 =	sne.s32 s0, $0x0;
	s0 =	rddreg [dreg:$0x3]  }
0x81: {  	s0 =	sadd.s32 @!p0 $0x100000, s0  }
0x82: {  	[sflag:s0] =	ssyncadd.tile.s32 @!p0 $0x1;
	_ =	shalt  }
.Lfunc_end2:
_tile_overlayer_lowered:
.L_overlay_start_2:
0x83: {  	(tag) =	ssettag $0x2  }
0x84: {  	s0 =	rddreg [dreg:$0x0];
	s2 =	stileid.u32  }
0x85: {  	s1 =	rddreg [dreg:$0x1];
	p0 =	sne.s32 s2, $0x0  }
0x86: {  	s3 =	rddreg [dreg:$0x2];
	[bflag:$0x3] =	sbarrier.arrive $0xFFFF;
	s2 =	simm.s32 @!p0 $0x1C06  }
0x87: {  	[timem:s3], [sflag:s2] =	dma.local @!p0 [hbm:s0], s1  }
0x88: {  	s0 =	simm.s32 @!p0 $0x6  }
0x89: {  	_ =	swait.ge @!p0 [sflag:s0], s1  }
0x8a: {  	s1 =	ssub.s32 @!p0 $0x0, s1;
	[sflag:s0] =	ssyncset.done @!p0 $0x0  }
0x8b: {  	[sflag:s0] =	ssyncadd.s32 @!p0 s1  }
0x8c: {  	[bflag:$0x3] =	sbarrier.arrive $0xFFFF  }
0x8d: {  	_ =	shalt  }

// kernel: kernel.9.cloned.1.call-start
scs
__scs_entry_jumppad:
0x0: {  	(pc) =	sbr.rel $0x88, $3  }
0x1: {  	(tag) =	ssettag $0x0;
	lr =	simm.s32 $0x1  }
0x2: {  	[smem:$0x3F99] =	sst lr;
	_ =	strace $0xD0000000  }
0x3: {  	_ = 	snop  }
0x4: {  	_ = 	snop  }
0x5: {  	_ = 	snop  }
0x6: {  	_ = 	snop  }
0x7: {  	_ = 	snop  }
__scs_overlays_trampoline_lowered:
0x8: {  	[smem:$0x3FA8] =	sst s0  }
0x9: {  	[smem:$0x3FA9] =	sst s1  }
0xa: {  	[smem:$0x3FAA] =	sst s2  }
0xb: {  	[smem:$0x3FAB] =	sst s3  }
0xc: {  	[smem:$0x3FAC] =	sst s4  }
0xd: {  	[smem:$0x3FAD] =	sst s5  }
0xe: {  	[smem:$0x3FAE] =	sst s6  }
0xf: {  	[smem:$0x3FAF] =	sst s7  }
0x10: {  	[smem:$0x3FB0] =	sst s8  }
0x11: {  	[smem:$0x3FB1] =	sst s9;
	s0 =	simm.s32 @!p0 $0x0  }
0x12: {  	s1 =	sld [smem:$0x3F97];
	s0 =	simm.s32 @p0 $0x1  }
0x13: {  	[smem:$0x3FB2] =	sst s0;
	s0 =	simm.s32 @!p1 $0x0  }
0x14: {  	s2 =	sld [smem:$0x3F96];
	s0 =	simm.s32 @p1 $0x1  }
0x15: {  	[smem:$0x3FB3] =	sst s0;
	s0 =	simm.s32 @!p2 $0x0  }
0x16: {  	s3 =	sld [smem:$0x3FDB];
	s0 =	simm.s32 @p2 $0x1  }
0x17: {  	s4 =	simm.s32 $0x1BF5;
	[smem:$0x3FB5] =	sst s0  }
0x18: {  	s0 =	sld [smem:$0x3F98];
	_ =	swait.ge [sflag:s4], $0x0  }
0x19: {  	s7 =	sld [smem:$0x3F99]  }
0x1a: {  	s8 =	sadd.s32 $0xFFFFE003, lr  }
0x1b: {  	s9 =	sadd.s32 $0xFFFFFEF7, lr;
	s5 =	simm.s32 $0xFFFFFFFF;
	p2 =	slt.u32 s8, $0xFFFFF086  }
0x1c: {  	p1 =	slt.u32 s9, $0xF7A;
	s5 =	simm.s32 @!p2 $0x0  }
0x1d: {  	s5 =	simm.s32 @p1 $0x1;
	p0 =	seq.s32 s7, s2  }
0x1e: {  	s7 =	smul.u32 @!p0 $0xF7A, s2;
	p2 =	seq.s32 @!p0 s5, $0x0  }
0x1f: {  	s9 =	smul.u32 $0xF7A, s1;
	s8 =	simm.s32 @!p0 $0x1BF5;
	p2 =	por !p2, p0  }
0x20: {  	[sflag:s8] =	ssyncset.s32 @!p0 $0xFFFFF086;
	s6 =	sadd.s32 @!p0 s3, s7;
	s7 =	simm.s32 @!p0 $0x108  }
0x21: {  	s3 =	sadd.s32 s3, s9;
	s6 =	sadd.s32 @!p0 $0x88, s6;
	s7 =	simm.s32 @p2 $0x1082  }
0x22: {  	[simem:s7], [sflag:s8] =	dma.local @!p0 [hbm:s6], $0xF7A  }
0x23: {  	s9 =	sor.u32 $0xD0000000, s2;
	s6 =	simm.s32 $0x108;
	_ =	swait.ge @!p0 [sflag:s8], $0x0  }
0x24: {  	s3 =	sadd.s32 $0x88, s3;
	s6 =	simm.s32 @!p1 $0x1082;
	[sflag:s4] =	ssyncset.s32 $0xFFFFF086  }
0x25: {  	[simem:s6], [sflag:s4] =	dma.local [hbm:s3], $0xF7A  }
0x26: {  	[smem:$0x3F99] =	sst s1;
	(tag) =	ssettag s2;
	_ =	strace s9  }
0x27: {  	s1 =	sld [smem:$0x3FA9]  }
0x28: {  	s2 =	sld [smem:$0x3FAA]  }
0x29: {  	s4 =	sld [smem:$0x3FAC]  }
0x2a: {  	p0 =	seq.s32 s5, $0x0;
	s5 =	sld [smem:$0x3FAD]  }
0x2b: {  	s6 =	sld [smem:$0x3FAE]  }
0x2c: {  	s7 =	sld [smem:$0x3FAF]  }
0x2d: {  	s3 =	simm.s32 $0x108;
	s8 =	sld [smem:$0x3FB0]  }
0x2e: {  	s3 =	simm.s32 @!p0 $0x1082;
	s9 =	sld [smem:$0x3FB1]  }
0x2f: {  	lr =	sadd.s32 s0, s3;
	s0 =	sld [smem:$0x3FA8]  }
0x30: {  	s3 =	sld [smem:$0x3FAB]  }
0x31: {  	[smem:$0x3FB4] =	sst s10  }
0x32: {  	s10 =	sld [smem:$0x3FB2];
	_ =	sdelay $0x3  }
0x33: {  	p0 =	seq.s32 s10, $0x1;
	s10 =	sld [smem:$0x3FB4];
	_ =	sdelay $0x3  }
0x34: {  	[smem:$0x3FB4] =	sst s10  }
0x35: {  	s10 =	sld [smem:$0x3FB3];
	_ =	sdelay $0x3  }
0x36: {  	p1 =	seq.s32 s10, $0x1;
	s10 =	sld [smem:$0x3FB4];
	_ =	sdelay $0x3  }
0x37: {  	[smem:$0x3FB4] =	sst s10  }
0x38: {  	s10 =	sld [smem:$0x3FB5]  }
0x39: {  	_ = 	snop;
	(pc) =	sbr.ind lr, $3  }
0x3a: {  	_ = 	snop  }
0x3b: {  	_ = 	snop  }
0x3c: {  	p2 =	seq.s32 s10, $0x1;
	s10 =	sld [smem:$0x3FB4]  }
0x3d: {  	_ =	shalt  }
0x3e: {  	_ =	shalt  }
0x3f: {  	_ =	shalt  }
0x40: {  	_ =	shalt  }
0x41: {  	_ =	shalt  }
0x42: {  	_ =	shalt  }
0x43: {  	_ =	shalt  }
0x44: {  	_ =	shalt  }
0x45: {  	_ =	shalt  }
0x46: {  	_ =	shalt  }
0x47: {  	_ =	shalt  }
0x48: {  	_ =	shalt  }
0x49: {  	_ =	shalt  }
0x4a: {  	_ =	shalt  }
0x4b: {  	_ =	shalt  }
0x4c: {  	_ =	shalt  }
0x4d: {  	_ =	shalt  }
0x4e: {  	_ =	shalt  }
0x4f: {  	_ =	shalt  }
0x50: {  	_ =	shalt  }
0x51: {  	_ =	shalt  }
0x52: {  	_ =	shalt  }
0x53: {  	_ =	shalt  }
0x54: {  	_ =	shalt  }
0x55: {  	_ =	shalt  }
0x56: {  	_ =	shalt  }
0x57: {  	_ =	shalt  }
0x58: {  	_ =	shalt  }
0x59: {  	_ =	shalt  }
0x5a: {  	_ =	shalt  }
0x5b: {  	_ =	shalt  }
0x5c: {  	_ =	shalt  }
0x5d: {  	_ =	shalt  }
0x5e: {  	_ =	shalt  }
0x5f: {  	_ =	shalt  }
0x60: {  	_ =	shalt  }
0x61: {  	_ =	shalt  }
0x62: {  	_ =	shalt  }
0x63: {  	_ =	shalt  }
0x64: {  	_ =	shalt  }
0x65: {  	_ =	shalt  }
0x66: {  	_ =	shalt  }
0x67: {  	_ =	shalt  }
0x68: {  	_ =	shalt  }
0x69: {  	_ =	shalt  }
0x6a: {  	_ =	shalt  }
0x6b: {  	_ =	shalt  }
0x6c: {  	_ =	shalt  }
0x6d: {  	_ =	shalt  }
0x6e: {  	_ =	shalt  }
0x6f: {  	_ =	shalt  }
0x70: {  	_ =	shalt  }
0x71: {  	_ =	shalt  }
0x72: {  	_ =	shalt  }
0x73: {  	_ =	shalt  }
0x74: {  	_ =	shalt  }
0x75: {  	_ =	shalt  }
0x76: {  	_ =	shalt  }
0x77: {  	_ =	shalt  }
0x78: {  	_ =	shalt  }
0x79: {  	_ =	shalt  }
0x7a: {  	_ =	shalt  }
0x7b: {  	_ =	shalt  }
0x7c: {  	_ =	shalt  }
0x7d: {  	_ =	shalt  }
0x7e: {  	_ =	shalt  }
0x7f: {  	_ =	shalt  }
0x80: {  	_ =	shalt  }
0x81: {  	_ =	shalt  }
0x82: {  	_ =	shalt  }
0x83: {  	_ =	shalt  }
0x84: {  	_ =	shalt  }
0x85: {  	_ =	shalt  }
0x86: {  	_ =	shalt  }
0x87: {  	_ =	shalt  }
.Lfunc_end0:
.L_simem_size_0:
called_computation.1_lowered:
.L_overlay_start_0:
0x88: {  	s2 =	sld [smem:$0x3FD9]  }
0x89: {  	s3 =	sld [smem:$0x3FFE];
	_ =	sdelay $0x1  }
0x8a: {  	s1 =	srdreg.scid  }
0x8b: {  	s0 =	sand.u32 $0x1, s1  }
0x8c: {  	s17 =	sshll.u32 s0, $0xA;
	s2 =	sadd.s32 s3, s2  }
0x8d: {  	s2 =	sadd.s32 s2, s17  }
0x8e: {  	[smem:$0x3FC0] =	sst s2  }
0x8f: {  	_ = 	snop  }
0x90: {  	s2 =	sld [smem:$0x3FD0];
	(tm) =	ssettm $0x1  }
0x91: {  	s18 =	sld [smem:$0x3FFB];
	_ =	sdelay $0x3  }
0x92: {  	_ =	strace s18  }
0x93: {  	s3 =	sld [smem:$0x3FFC];
	_ =	sdelay $0x3  }
0x94: {  	_ =	strace s3  }
0x95: {  	s3 =	sld [smem:$0x3FFD];
	_ =	sdelay $0x3  }
0x96: {  	_ =	strace s3  }
0x97: {  	_ =	strace $0x8FFFFFFF  }
0x98: {  	s19 =	sld [smem:$0x3FDB];
	_ =	sdelay $0x1  }
0x99: {  	s4 =	simm.s32 $_scs_section_size  }
0x9a: {  	s5 =	simm.s32 $_size__tile_overlayer_lowered;
	s6 =	simm.s32 $_tile_overlayer_lowered  }
0x9b: {  	s22 =	simm.s32 $0x1BFF;
	s21 =	sshll.u32 s6, $0x1;
	s3 =	sadd.s32 s4, s19  }
0x9c: {  	s7 =	simm.s32 $0x0;
	s20 =	sshll.u32 s5, $0x1;
	s5 =	sadd.s32 s21, s3  }
0x9d: {  	[timem:s7], [sflag:s22] =	dma.local [hbm:s5], s20  }
0x9e: {  	_ =	swait.ge [sflag:s22], s20  }
0x9f: {  	s4 =	ssub.s32 $0x0, s20;
	[sflag:s22] =	ssyncset.done $0x0  }
0xa0: {  	[sflag:s22] =	ssyncadd.s32 s4;
	_ =	sdelay $0x1  }
0xa1: {  	s23 =	simm.s32 $0x1B8B  }
0xa2: {  	_ =	swait.ge [sflag:s23], $0x1  }
0xa3: {  	[sflag:s23] =	ssyncset.done $0x0  }
0xa4: {  	s25 =	simm.s32 $0x1B8E;
	s24 =	sld [smem:$0x3FFE];
	[sflag:s23] =	ssyncadd.s32 $0xFFFFFFFF  }
0xa5: {  	s26 =	simm.s32 $execute0_lowered;
	[smem:$0x3FD2] =	sst s25  }
0xa6: {  	s5 =	sshll.u32 s26, $0x1;
	_ =	strace $0x80000049;
	[dreg:$0x1] =	wrdreg $0xFFFFFFFF  }
0xa7: {  	s28 =	simm.s32 $_size_execute0_lowered;
	s3 =	sadd.s32 s3, s5;
	[dreg:$0x0] =	wrdreg $0x0  }
0xa8: {  	s5 =	sshll.u32 s28, $0x1;
	[dreg:$0x2] =	wrdreg s3  }
0xa9: {  	[dreg:$0x3] =	wrdreg s5  }
0xaa: {  	[dreg:$0x4] =	wrdreg $0xC0  }
0xab: {  	_ =	task [dreg:s7], $0x5FFFF  }
0xac: {  	[dreg:$0x1] =	wrdreg $0xFFFFFFFF  }
0xad: {  	[dreg:$0x0] =	wrdreg $0x60  }
0xae: {  	[dreg:$0x2] =	wrdreg s24  }
0xaf: {  	[dreg:$0x3] =	wrdreg s2  }
0xb0: {  	[dreg:$0x4] =	wrdreg $0x94000  }
0xb1: {  	[dreg:$0x5] =	wrdreg $0x9  }
0xb2: {  	_ =	task.clear_ibuf [dreg:s7], $0x6FFFF;
	_ =	strace $0x90000049  }
0xb3: {  	s29 =	simm.s32 $0x9;
	_ =	strace $0x8000004B  }
0xb4: {  	_ =	swait.ge [sflag:s29], $0x1  }
0xb5: {  	[sflag:s29] =	ssyncadd.s32 $0xFFFFFFFF  }
0xb6: {  	_ =	strace $0x9000004B  }
0xb7: {  	_ =	sfence  }
0xb8: {  	s30 =	sld [smem:$0x0];
	_ =	sdelay $0x2  }
0xb9: {  	s31 =	sshll.u32 s1, $0xD;
	s1 =	sshrl.u32 s1, $0x2  }
0xba: {  	s3 =	sand.u32 $0x4000, s31;
	s1 =	sadd.s32 s1, s30  }
0xbb: {  	s0 =	sor.u32 s3, s0;
	s1 =	sshll.u32 s1, $0x11  }
0xbc: {  	s0 =	sor.u32 s1, s0  }
0xbd: {  	s0 =	sadd.s32 $0x8F2B, s0  }
0xbe: {  	[sflag:s0] =	ssyncadd.remote.s32 $0x1  }
0xbf: {  	_ =	sfence.sel $0xFFFF  }
0xc0: {  	[dreg:$0x0] =	wrdreg $0xFFFFFFFF;
	(pc) =	sbr.abs _section_cstart, $3  }
0xc1: {  	[dreg:$0x1] =	wrdreg $0xFFFFFFFF  }
0xc2: {  	_ =	task.clear_ibuf [dreg:s7], $0x2FFFF;
	_ =	strace $0x9FFFFFFF  }
0xc3: {  	(tm) =	ssettm $0x7FFFFFFF  }
tec
execute0_lowered:
.L_overlay_start_1:
0x0: {  	(tag) =	ssettag $0x1  }
0x1: {  	s0 =	rddreg [dreg:$0x0]  }
0x2: {  	s1 =	rddreg [dreg:$0x1];
	s3 =	srdreg.scid  }
0x3: {  	s12 =	stileid.u32;
	s2 =	rddreg [dreg:$0x2]  }
0x4: {  	s28 =	simm.s32 $0x4;
	s29 =	simm.s32 $0x80;
	s30 =	simm.s32 $0x280  }
0x5: {  	s31 =	simm.s32 $0x4C00;
	s6 =	sand.u32 $0x1, s3;
	s5 =	smul.u32 $0x16380, s12  }
0x6: {  	s3 =	simm.s32 $0x0;
	s4 =	sadd.s32 $0xB400, s0;
	s9 =	smul.u32 $0x58E00, s12  }
0x7: {  	s8 =	sadd.s32 $0x1400, s0;
	s10 =	sshll.u32 s12, $0x1;
	s12 =	smul.u32 $0x5000, s12  }
0x8: {  	s7 =	smul.u32 $0x163800, s6;
	[smem:$0x7FF] =	sst s3;
	s18 =	ssub.s32 $0x2, s6  }
0x9: {  	s10 =	sor.u32 s6, s10;
	s6 =	smul.u32 $0x2800, s6;
	_ =	strace $0x8000004A  }
0xa: {  	s11 =	sshrl.u32 s18, $0x1;
	s9 =	sshrl.u32 s9, $0x2;
	s10 =	smul.u32 $0x2800, s10  }
0xb: {  	s7 =	sadd.s32 s5, s7;
	s9 =	sadd.s32 s9, s2;
	s5 =	sadd.s32 s5, s2  }
0xc: {  	s6 =	sadd.s32 s6, s12;
	s7 =	sshrl.u32 s7, $0x3;
	s19 =	sadd.s32 $0x4800, s9  }
0xd: {  	s20 =	sadd.s32 $0x9000, s9;
	s13 =	sshrl.u32 s10, $0x3;
	[dreg:$0x4] =	wrdreg s19  }
0xe: {  	s21 =	sadd.s32 $0xD800, s9;
	s9 =	sadd.s32 $0x12000, s9;
	[dreg:$0x5] =	wrdreg s20  }
0xf: {  	s25 =	sor.u32 $0x200, s6;
	s6 =	sor.u32 $0x300, s6;
	[dreg:$0x6] =	wrdreg s21  }
0x10: {  	s0 =	sadd.s32 s7, s0;
	s7 =	ssub.s32 s18, s11;
	[dreg:$0x7] =	wrdreg s9  }
0x11: {  	s22 =	sadd.s32 s1, s13;
	s23 =	sadd.s32 s8, s13;
	s24 =	sor.u32 $0x20, s13  }
0x12: {  	s26 =	sshrl.u32 s25, $0x3;
	s6 =	sshrl.u32 s6, $0x3;
	s20 =	simm.s32 $0x400  }
0x13: {  	s21 =	simm.s32 $0x6;
	s25 =	simm.s32 $0x2;
	[dreg:$0x8] =	wrdreg s22  }
0x14: {  	[dreg:$0x9] =	wrdreg s23;
	s12 =	sadd.s32 s1, s24;
	s13 =	sadd.s32 s8, s24  }
.Ltmp0:
0x15: {  	s14 =	sadd.s32 $0x37400, s0;
	s15 =	smax.u32 s7, $0x1;
	(pc) =	sbr.rel .LBB2_1-.Ltmp0, $4  }
0x16: {  	s16 =	sadd.s32 s26, s8;
	s17 =	sadd.s32 s26, s1;
	s18 =	sadd.s32 s6, s8  }
0x17: {  	s19 =	sadd.s32 s6, s1;
	s22 =	simm.s32 $0x200;
	s23 =	simm.s32 $0x100  }
0x18: {  	s24 =	simm.s32 $0x300;
	s26 =	simm.s32 $0x1;
	s1 =	simm.s32 $0x3  }
0x19: {  	v0 =	vimm.f32 $0.0e+00;
	s0 =	simm.s32 $0x5;
	s6 =	simm.s32 $0x380;
	s7 =	simm.s32 $0x0  }
.LBB2_6:
0x1a: {  	s8 =	stileid.u32;
	s7 =	sadd.s32 $0x1, s7  }
0x1b: {  	[bflag:$0x0] =	sbarrier.arrive $0xFFFF;
	s8 =	sshll.u32 s8, $0x6;
	p0 =	sne.s32 s7, s15  }
.Ltmp1:
0x1c: {  	s9 =	sshrl.u32 s5, $0x3;
	s8 =	sor.u32 $0x1C06, s8;
	(pc) =	sbr.rel @!p0 .LBB2_7-.Ltmp1, $4  }
0x1d: {  	[hbm:s14], [sflag:s8] =	dma.local [spmem:s9], $0x2C70  }
0x1e: {  	_ =	swait.ge [sflag:s21], $0x2C70  }
0x1f: {  	[sflag:s21] =	ssyncset.done $0x0  }
0x20: {  	[sflag:s21] =	ssyncadd.s32 $0xFFFFD390  }
.LBB2_1:
0x21: {  	s8 =	simm.s32 $0x0;
	s9 =	simm.s32 $0x240  }
.LBB2_2:
0x22: {  	p0 =	sne.s32 s9, $0x11DC0;
	[tilespmem:s8+$0x480] =	vst v0  }
0x23: {  	[tilespmem:s8+$0x400] =	vst v0  }
0x24: {  	[tilespmem:s8+$0x410] =	vst v0  }
0x25: {  	[tilespmem:s8+$0x420] =	vst v0  }
.Ltmp2:
0x26: {  	[tilespmem:s8+$0x430] =	vst v0;
	(pc) =	sbr.rel @p0 .LBB2_2-.Ltmp2, $4  }
0x27: {  	[tilespmem:s8+$0x440] =	vst v0  }
0x28: {  	[tilespmem:s8+$0x450] =	vst v0  }
0x29: {  	[tilespmem:s8+$0x460] =	vst v0  }
0x2a: {  	[tilespmem:s8+$0x470] =	vst v0;
	s8 =	sshra.s32 s9, $0x2;
	s9 =	sadd.s32 $0x240, s9  }
0x2b: {  	[tilespmem:s8+$0x480] =	vst v0  }
0x2c: {  	[tilespmem:s8+$0x400] =	vst v0  }
0x2d: {  	[tilespmem:s8+$0x410] =	vst v0  }
0x2e: {  	[tilespmem:s8+$0x420] =	vst v0  }
0x2f: {  	[tilespmem:s8+$0x430] =	vst v0  }
0x30: {  	[tilespmem:s8+$0x440] =	vst v0  }
0x31: {  	[tilespmem:s8+$0x450] =	vst v0  }
0x32: {  	[tilespmem:s8+$0x460] =	vst v0  }
0x33: {  	[tilespmem:s8+$0x470] =	vst v0  }
0x34: {  	[spmem:s5] =	stream.linear.scatter [tilespmem:s20], [sflag:$0x6], $0x4800, $0x38;
	[tilespmem:$0x1F780] =	vst v63  }
0x35: {  	_ =	swait.ge [sflag:s21], $0x4800  }
0x36: {  	[sflag:s21] =	ssyncset.done $0x0  }
0x37: {  	s10 =	rddreg [dreg:$0x4];
	[sflag:s21] =	ssyncadd.s32 $0xFFFFB800  }
0x38: {  	[spmem:s10] =	stream.linear.scatter [tilespmem:s20], [sflag:$0x6], $0x4800, $0x38;
	[tilespmem:$0x1F780] =	vst v63  }
0x39: {  	_ =	swait.ge [sflag:s21], $0x4800  }
0x3a: {  	[sflag:s21] =	ssyncset.done $0x0  }
0x3b: {  	s11 =	rddreg [dreg:$0x5];
	[sflag:s21] =	ssyncadd.s32 $0xFFFFB800  }
0x3c: {  	[spmem:s11] =	stream.linear.scatter [tilespmem:s20], [sflag:$0x6], $0x4800, $0x38;
	[tilespmem:$0x1F780] =	vst v63  }
0x3d: {  	_ =	swait.ge [sflag:s21], $0x4800  }
0x3e: {  	[sflag:s21] =	ssyncset.done $0x0  }
0x3f: {  	s9 =	rddreg [dreg:$0x6];
	[sflag:s21] =	ssyncadd.s32 $0xFFFFB800  }
0x40: {  	[spmem:s9] =	stream.linear.scatter [tilespmem:s20], [sflag:$0x6], $0x4800, $0x38;
	[tilespmem:$0x1F780] =	vst v63  }
0x41: {  	_ =	swait.ge [sflag:s21], $0x4800  }
0x42: {  	[sflag:s21] =	ssyncset.done $0x0  }
0x43: {  	s10 =	rddreg [dreg:$0x7];
	[sflag:s21] =	ssyncadd.s32 $0xFFFFB800  }
0x44: {  	[spmem:s10] =	stream.linear.scatter [tilespmem:s20], [sflag:$0x6], $0x4380, $0x38;
	[tilespmem:$0x1F780] =	vst v63  }
0x45: {  	_ =	swait.ge [sflag:s21], $0x4380  }
0x46: {  	[sflag:s21] =	ssyncset.done $0x0  }
0x47: {  	[sflag:s21] =	ssyncadd.s32 $0xFFFFBC80  }
0x48: {  	[bflag:$0x0] =	sbarrier.arrive $0xFFFF  }
0x49: {  	s8 =	simm.s32 $0x0;
	s9 =	rddreg [dreg:$0x8]  }
0x4a: {  	[tilespmem:s8], [sflag:$0x2] =	stream.linear.gather [hbm4b:s9+s8], $0x100, $0x38;
	[tilespmem:$0x1F780] =	vst v63  }
0x4b: {  	s11 =	rddreg [dreg:$0x9]  }
0x4c: {  	[tilespmem:s22], [sflag:$0x4] =	stream.linear.gather [hbm4b:s11+s8], $0x100, $0x38;
	[tilespmem:$0x1F780] =	vst v63  }
0x4d: {  	_ = 	snop  }
0x4e: {  	[tilespmem:s23], [sflag:$0x3] =	stream.linear.gather [hbm4b:s12+s8], $0x100, $0x38;
	[tilespmem:$0x1F780] =	vst v63  }
0x4f: {  	_ = 	snop  }
0x50: {  	[tilespmem:s24], [sflag:$0x5] =	stream.linear.gather [hbm4b:s13+s8], $0x100, $0x38;
	[tilespmem:$0x1F780] =	vst v63  }
.LBB2_4:
0x51: {  	_ =	swait.ge [sflag:s25], $0x100  }
0x52: {  	[sflag:s25] =	ssyncset.done $0x0  }
0x53: {  	[sflag:s25] =	ssyncadd.s32 $0xFFFFFF00  }
0x54: {  	[tilespmem:s20], [sflag:$0x1] =	stream.indirect.gather [hbm4b:s4+s23], $0x90, s3, s23, $0xb8;
	[tilespmem:$0x1F780] =	vst v63  }
0x55: {  	_ =	swait.ge [sflag:s26], $0x9000  }
0x56: {  	p0 =	seq.s32 s8, $0x4C0;
	[sflag:s26] =	ssyncset.done $0x0  }
0x57: {  	s9 =	sadd.s32 @!p0 s8, s17;
	s10 =	simm.s32 @!p0 $0x0;
	[sflag:s26] =	ssyncadd.s32 $0xFFFF7000  }
0x58: {  	[tilespmem:s10], [sflag:$0x2] =	stream.linear.gather @!p0 [hbm4b:s9+s10], $0x100, $0x38;
	[tilespmem:$0x1F780] =	vst v63  }
0x59: {  	_ =	swait.ge [sflag:s28], $0x100  }
0x5a: {  	[sflag:s28] =	ssyncset.done $0x0  }
0x5b: {  	[sflag:s28] =	ssyncadd.s32 $0xFFFFFF00  }
0x5c: {  	[spmem:s2] =	stream.indirect.scatter.add.f32 [tilespmem:s20], [sflag:$0x6], $0x90, s22, s29, $0xb8;
	[tilespmem:$0x1F780] =	vst v63  }
0x5d: {  	_ =	swait.ge [sflag:s21], $0x4800  }
0x5e: {  	[sflag:s21] =	ssyncset.done $0x0  }
0x5f: {  	[sflag:s21] =	ssyncadd.s32 $0xFFFFB800  }
0x60: {  	[spmem:s2] =	stream.indirect.scatter.add.f32 [tilespmem:s31], [sflag:$0x6], $0x90, s30, s29, $0xb8;
	[tilespmem:$0x1F780] =	vst v63  }
0x61: {  	_ =	swait.ge [sflag:s21], $0x4800  }
0x62: {  	[sflag:s21] =	ssyncset.done $0x0  }
0x63: {  	s11 =	simm.s32 @!p0 $0x200;
	s9 =	sadd.s32 @!p0 s8, s16;
	[sflag:s21] =	ssyncadd.s32 $0xFFFFB800  }
0x64: {  	[tilespmem:s11], [sflag:$0x4] =	stream.linear.gather @!p0 [hbm4b:s9+s10], $0x100, $0x38;
	[tilespmem:$0x1F780] =	vst v63  }
0x65: {  	_ =	swait.ge [sflag:s1], $0x100  }
0x66: {  	[sflag:s1] =	ssyncset.done $0x0  }
0x67: {  	[sflag:s1] =	ssyncadd.s32 $0xFFFFFF00  }
0x68: {  	[tilespmem:s20], [sflag:$0x1] =	stream.indirect.gather [hbm4b:s4+s23], $0x90, s23, s23, $0xb8;
	[tilespmem:$0x1F780] =	vst v63  }
0x69: {  	_ =	swait.ge [sflag:s26], $0x9000  }
0x6a: {  	[sflag:s26] =	ssyncset.done $0x0  }
0x6b: {  	s9 =	sadd.s32 @!p0 s8, s19;
	s11 =	simm.s32 @!p0 $0x100;
	[sflag:s26] =	ssyncadd.s32 $0xFFFF7000  }
0x6c: {  	[tilespmem:s11], [sflag:$0x3] =	stream.linear.gather @!p0 [hbm4b:s9+s10], $0x100, $0x38;
	[tilespmem:$0x1F780] =	vst v63  }
0x6d: {  	_ =	swait.ge [sflag:s0], $0x100  }
0x6e: {  	[sflag:s0] =	ssyncset.done $0x0  }
0x6f: {  	[sflag:s0] =	ssyncadd.s32 $0xFFFFFF00  }
0x70: {  	[spmem:s2] =	stream.indirect.scatter.add.f32 [tilespmem:s20], [sflag:$0x6], $0x90, s24, s29, $0xb8;
	[tilespmem:$0x1F780] =	vst v63  }
0x71: {  	_ =	swait.ge [sflag:s21], $0x4800  }
0x72: {  	[sflag:s21] =	ssyncset.done $0x0  }
.Ltmp3:
0x73: {  	[sflag:s21] =	ssyncadd.s32 $0xFFFFB800;
	(pc) =	sbr.rel @p0 .LBB2_6-.Ltmp3, $4  }
0x74: {  	[spmem:s2] =	stream.indirect.scatter.add.f32 [tilespmem:s31], [sflag:$0x6], $0x90, s6, s29, $0xb8;
	[tilespmem:$0x1F780] =	vst v63  }
0x75: {  	_ =	swait.ge [sflag:s21], $0x4800  }
0x76: {  	[sflag:s21] =	ssyncset.done $0x0  }
0x77: {  	[sflag:s21] =	ssyncadd.s32 $0xFFFFB800  }
.Ltmp4:
0x78: {  	(pc) =	sbr.rel .LBB2_4-.Ltmp4, $3  }
0x79: {  	_ =	sdelay $0x1  }
0x7a: {  	s9 =	sadd.s32 s8, s18;
	s8 =	sadd.s32 $0x40, s8  }
0x7b: {  	[tilespmem:s24], [sflag:$0x5] =	stream.linear.gather [hbm4b:s9+s3], $0x100, $0x38;
	[tilespmem:$0x1F780] =	vst v63  }
.LBB2_7:
0x7c: {  	_ =	sfence.sel $0x180000  }
0x7d: {  	[bflag:$0x0] =	sbarrier.arrive $0xFFFF  }
0x7e: {  	_ =	strace $0x9000004A  }
0x7f: {  	s0 =	stileid.u32;
	[bflag:$0x2] =	sbarrier.arrive $0xFFFF  }
0x80: {  	p0 =	sne.s32 s0, $0x0;
	s0 =	rddreg [dreg:$0x3]  }
0x81: {  	s0 =	sadd.s32 @!p0 $0x100000, s0  }
0x82: {  	[sflag:s0] =	ssyncadd.tile.s32 @!p0 $0x1;
	_ =	shalt  }
.Lfunc_end2:
_tile_overlayer_lowered:
.L_overlay_start_2:
0x83: {  	(tag) =	ssettag $0x2  }
0x84: {  	s0 =	rddreg [dreg:$0x0];
	s2 =	stileid.u32  }
0x85: {  	s1 =	rddreg [dreg:$0x1];
	p0 =	sne.s32 s2, $0x0  }
0x86: {  	s3 =	rddreg [dreg:$0x2];
	[bflag:$0x3] =	sbarrier.arrive $0xFFFF;
	s2 =	simm.s32 @!p0 $0x1C06  }
0x87: {  	[timem:s3], [sflag:s2] =	dma.local @!p0 [hbm:s0], s1  }
0x88: {  	s0 =	simm.s32 @!p0 $0x6  }
0x89: {  	_ =	swait.ge @!p0 [sflag:s0], s1  }
0x8a: {  	s1 =	ssub.s32 @!p0 $0x0, s1;
	[sflag:s0] =	ssyncset.done @!p0 $0x0  }
0x8b: {  	[sflag:s0] =	ssyncadd.s32 @!p0 s1  }
0x8c: {  	[bflag:$0x3] =	sbarrier.arrive $0xFFFF  }
0x8d: {  	_ =	shalt  }

</sc_bundles>
